<compile_context>
chip_gen: v7x
topology: tpu7x:2x2x1
jax: 0.10.2.dev20260603
libtpu: 0.0.44.dev20260713+nightly
codegen_flags: <defaults>
</compile_context>

<pallas_src>
import functools

import jax
import jax.numpy as jnp
from jax import lax
from jax.experimental import pallas as pl
from jax.experimental.pallas import tpu as pltpu
from jax.experimental.pallas import tpu_sc as plsc

_N = 16384
_M = _N // 2
_K = 8
_LAM = 0.1
_EPS = 1e-6

_R = 256
_CT = 512


def _knn_body(pr_ref, pc_ref, d2_ref, idx_ref, vals_s, idxs_s):
    c = pl.program_id(1)

    @pl.when(c == 0)
    def _():
        vals_s[...] = jnp.full((_R, _K), jnp.inf, jnp.float32)
        idxs_s[...] = jnp.zeros((_R, _K), jnp.int32)

    xr = pr_ref[...]
    xc = pc_ref[...]
    d2 = (xr[:, 0:1] - xc[0:1, :]) ** 2
    d2 = d2 + (xr[:, 1:2] - xc[1:2, :]) ** 2
    d2 = d2 + (xr[:, 2:3] - xc[2:3, :]) ** 2

    gidx = c * _CT + lax.broadcasted_iota(jnp.int32, (_R, _CT), 1)
    big = jnp.int32(2 ** 30)
    vals = vals_s[...]
    idxs = idxs_s[...]
    iota8 = lax.broadcasted_iota(jnp.int32, (_R, _K), 1)
    for _ in range(_K):
        m = jnp.min(d2, axis=1, keepdims=True)
        eq = d2 == m
        sel = jnp.min(jnp.where(eq, gidx, big), axis=1, keepdims=True)
        d2 = jnp.where(eq & (gidx == sel), jnp.inf, d2)
        cmax = jnp.max(vals, axis=1, keepdims=True)
        accept = m < cmax
        smask = vals == cmax
        slot = jnp.min(jnp.where(smask, iota8, _K), axis=1, keepdims=True)
        repl = (iota8 == slot) & accept
        vals = jnp.where(repl, m, vals)
        idxs = jnp.where(repl, sel, idxs)
    vals_s[...] = vals
    idxs_s[...] = idxs

    @pl.when(c == pl.num_programs(1) - 1)
    def _():
        d2_ref[...] = vals
        idx_ref[...] = idxs


def _knn_topk(prow, pcol):
    return pl.pallas_call(
        _knn_body,
        grid=(_M // _R, _M // _CT),
        in_specs=[
            pl.BlockSpec((_R, 8), lambda r, c: (r, 0)),
            pl.BlockSpec((8, _CT), lambda r, c: (0, c)),
        ],
        out_specs=[
            pl.BlockSpec((_R, _K), lambda r, c: (r, 0)),
            pl.BlockSpec((_R, _K), lambda r, c: (r, 0)),
        ],
        out_shape=[
            jax.ShapeDtypeStruct((_M, _K), jnp.float32),
            jax.ShapeDtypeStruct((_M, _K), jnp.int32),
        ],
        scratch_shapes=[
            pltpu.VMEM((_R, _K), jnp.float32),
            pltpu.VMEM((_R, _K), jnp.int32),
        ],
        compiler_params=pltpu.CompilerParams(
            dimension_semantics=("parallel", "arbitrary")),
    )(prow, pcol)


def _loss_body(q_ref, nn_ref, d2_ref, out_ref, acc_s):
    k = pl.program_id(0)
    q = q_ref[...]
    nn = nn_ref[0]
    diff = q - nn + _EPS
    sq = diff * diff
    lane = lax.broadcasted_iota(jnp.int32, (_M, 32), 1)
    cd2 = jnp.sum(jnp.where(lane < 16, sq, 0.0), axis=1, keepdims=True)
    ld2 = jnp.sum(jnp.where((lane >= 16) & (lane < 19), sq, 0.0),
                  axis=1, keepdims=True)
    d2b = d2_ref[...]
    l8 = lax.broadcasted_iota(jnp.int32, (_M, _K), 1)
    d2c = jnp.sum(jnp.where(l8 == k, d2b, 0.0), axis=1, keepdims=True)
    term = jnp.exp(-_LAM * (d2c * d2c + ld2)) * jnp.sqrt(cd2)
    s = jnp.sum(term)

    @pl.when(k == 0)
    def _():
        acc_s[0] = 0.0

    acc_s[0] += s

    @pl.when(k == pl.num_programs(0) - 1)
    def _():
        out_ref[...] = jnp.reshape(acc_s[0] / (_M * _K), (1, 1))


def _loss_eval(q32, nn3, d2o):
    return pl.pallas_call(
        _loss_body,
        grid=(_K,),
        in_specs=[
            pl.BlockSpec((_M, 32), lambda k: (0, 0)),
            pl.BlockSpec((1, _M, 32), lambda k: (k, 0, 0)),
            pl.BlockSpec((_M, _K), lambda k: (0, 0)),
        ],
        out_specs=pl.BlockSpec((1, 1), lambda k: (0, 0)),
        out_shape=jax.ShapeDtypeStruct((1, 1), jnp.float32),
        scratch_shapes=[pltpu.SMEM((1,), jnp.float32)],
        compiler_params=pltpu.CompilerParams(
            dimension_semantics=("arbitrary",)),
    )(q32, nn3, d2o)


def _make_sc_gather(V, D, B):
    info = plsc.get_sparse_core_info()
    NC, NS = info.num_cores, info.num_subcores
    NW = NC * NS
    b_per_w = B // NW
    ch = min(128, b_per_w)
    n_ch = b_per_w // ch
    mesh = plsc.VectorSubcoreMesh(core_axis_name="c", subcore_axis_name="s")

    @functools.partial(
        pl.kernel, mesh=mesh,
        compiler_params=pltpu.CompilerParams(use_tc_tiling_on_sc=False),
        out_type=jax.ShapeDtypeStruct((B, D), jnp.float32),
        scratch_types=[
            pltpu.VMEM((ch,), jnp.int32),
            pltpu.VMEM((ch, D), jnp.float32),
            pltpu.SemaphoreType.DMA,
        ],
    )
    def gather_k(table_hbm, idx_hbm, out_hbm, idx_v, rows_v, sem):
        wid = lax.axis_index("s") * NC + lax.axis_index("c")
        base = wid * b_per_w

        def body(i, carry):
            off = base + i * ch
            pltpu.sync_copy(idx_hbm.at[pl.ds(off, ch)], idx_v)
            pltpu.async_copy(table_hbm.at[idx_v], rows_v, sem).wait()
            pltpu.sync_copy(rows_v, out_hbm.at[pl.ds(off, ch)])
            return carry

        lax.fori_loop(0, n_ch, body, 0)

    return gather_k


def kernel(xyz, motion_coeff, features_dc, pred_translation):
    n = xyz.shape[0]
    m = n // 2
    indice = jax.random.permutation(jax.random.key(42), n)[:m]
    gp = xyz + pred_translation

    tbl = jnp.zeros((n, 48), jnp.float32)
    tbl = tbl.at[:, 0:3].set(gp)
    tbl = tbl.at[:, 16:32].set(motion_coeff)
    tbl = tbl.at[:, 32:35].set(features_dc)

    targets = _make_sc_gather(n, 48, m)(tbl, indice.astype(jnp.int32))

    prow = targets[:, 0:8]
    pcol = targets[:, 0:8].T
    d2o, idxo = _knn_topk(prow, pcol)

    idxflat = idxo.T.reshape(-1)
    q32 = targets[:, 16:48]
    nn = _make_sc_gather(m, 32, m * _K)(q32, idxflat)
    nn3 = nn.reshape(_K, m, 32)

    loss = _loss_eval(q32, nn3, d2o)
    return loss[0, 0]

# --- scband reference (transcript-rebuilt; emitter-appended) ---
"""Pipeline reference for scband-rigidity-loss-30485677867094 (READ-ONLY COPY).

The authoritative reference and input builder live on the scoring server;
editing this copy changes nothing except your own understanding.
"""

import jax, jax.numpy as jnp
import numpy as np

N = 16384
C = 16
K = 8
SCALE = 0.5
LAM = 0.1
EPS = 1e-6


def setup_inputs(seed: int = 0) -> dict:
    key = jax.random.key(seed)
    k1, k2, k3, k4 = jax.random.split(key, 4)
    return {
        "xyz": jax.random.normal(k1, (N, 3), dtype=jnp.float32),
        "motion_coeff": jax.random.normal(k2, (N, C), dtype=jnp.float32),
        "features_dc": jax.random.uniform(k3, (N, 3), dtype=jnp.float32),
        "pred_translation": jax.random.normal(k4, (N, 3), dtype=jnp.float32) * 0.01,
    }


def _knn_points(points, k):
    # brute-force squared-L2 KNN (pytorch3d.knn_points returns squared dists)
    sq = jnp.sum(points * points, axis=1)
    d2 = sq[:, None] + sq[None, :] - 2.0 * (points @ points.T)
    d2 = jnp.maximum(d2, 0.0)
    neg_vals, idx = jax.lax.top_k(-d2, k)
    return -neg_vals, idx


def reference(xyz, motion_coeff, features_dc, pred_translation):
    n = xyz.shape[0]
    m = int(n * SCALE)
    # deterministic stand-in for random.sample(range(n), m)
    indice = jax.random.permutation(jax.random.key(42), n)[:m]
    gaussian_points = xyz + pred_translation
    target_points = jnp.take(gaussian_points, indice, axis=0)
    target_coeffs = jnp.take(motion_coeff, indice, axis=0)
    target_colors = jnp.take(features_dc, indice, axis=0)

    deform_dists, nn_indice = _knn_points(target_points, K)  # [M,K], [M,K]

    # --- 'coeff' mode ---
    coeff_nn = jnp.take(target_coeffs, nn_indice, axis=0)   # [M,K,C] knn_gather
    color_nn = jnp.take(target_colors, nn_indice, axis=0)   # [M,K,3] knn_gather

    # F.pairwise_distance: ||x - y + eps||_p along last dim
    color_dists = jnp.linalg.norm(target_colors[:, None, :] - color_nn + EPS, axis=-1)  # [M,K]

    sampled_coeff = target_coeffs[:, None, :]                 # [M,1,C]
    dist_weights = jnp.exp(-LAM * deform_dists ** 2)          # [M,K]
    color_weights = jnp.exp(-LAM * color_dists ** 2)          # [M,K]

    sim = jnp.linalg.norm(sampled_coeff - coeff_nn + EPS, axis=-1)  # l2 metric, [M,K]
    sim = color_weights * dist_weights * sim
    sim_loss = jnp.mean(sim)
    return sim_loss

if __name__ == "__main__":
    import jax
    _d = setup_inputs()
    print(jax.jit(kernel)(*tuple(_d.values())))

</pallas_src>

<mosaic_0001>
#map = affine_map<(d0, d1) -> (0, 0)>
#map1 = affine_map<(d0, d1) -> (0)>
module attributes {stable_mosaic.version = 14 : i64} {
  func.func @gather_k(%arg0: i32, %arg1: i32, %arg2: memref<16384x48xf32, #tpu.memory_space<hbm>>, %arg3: memref<8192xi32, #tpu.memory_space<hbm>>, %arg4: memref<8192x48xf32, #tpu.memory_space<hbm>>, %arg5: memref<128xi32, #tpu.memory_space<vmem>>, %arg6: memref<128x48xf32, #tpu.memory_space<vmem>>, %arg7: memref<!tpu.dma_semaphore, #tpu.memory_space<semaphore_mem>>) attributes {dimension_semantics = [#tpu.dimension_semantics<core_parallel>, #tpu.dimension_semantics<subcore_parallel>], iteration_bounds = array<i64: 2, 16>, scalar_prefetch = 0 : i64, scratch_operands = 3 : i64, tpu.core_type = #tpu.core_type<sc_vector_subcore>, window_params = [{transform_indices = #map}, {transform_indices = #map1}, {transform_indices = #map}]} {
    %mul3A = arith.constant 2 : i32
    %mul3A_0 = arith.muli %arg1, %mul3A : i32
    %add3A = arith.addi %mul3A_0, %arg0 : i32
    %mul3A_1 = arith.constant 256 : i32
    %mul3A_2 = arith.muli %add3A, %mul3A_1 : i32
    %scan3A = arith.constant 0 : i32
    %scan3A_3 = arith.constant 0 : i32
    %scan3A_4 = arith.constant 2 : i32
    %scan3A_5 = arith.addi %scan3A_3, %scan3A_4 : i32
    %scan3A_6 = arith.constant 1 : i32
    scf.for %scan3A_8 = %scan3A_3 to %scan3A_5 step %scan3A_6  : i32 {
      %mul3A_9 = arith.constant 128 : i32
      %mul3A_10 = arith.muli %scan3A_8, %mul3A_9 : i32
      %add3A_11 = arith.addi %mul3A_2, %mul3A_10 : i32
      "tpu.region"() ({
        %run_scoped3A = tpu.sem_alloc : memref<!tpu.dma_semaphore, #tpu.memory_space<semaphore_mem>>
        %dma_start3A_16 = tpu.memref_slice %arg3[%add3A_11] : memref<8192xi32, #tpu.memory_space<hbm>> -> memref<128xi32, #tpu.memory_space<hbm>>
        %dma_start3A_17 = tpu.memref_slice %arg3[%add3A_11] : memref<8192xi32, #tpu.memory_space<hbm>> -> memref<128xi32, #tpu.memory_space<hbm>>
        tpu.enqueue_dma source(%dma_start3A_17 : memref<128xi32, #tpu.memory_space<hbm>>) target(%arg5 : memref<128xi32, #tpu.memory_space<vmem>>) target_semaphore(%run_scoped3A : memref<!tpu.dma_semaphore, #tpu.memory_space<semaphore_mem>>)
        %dma_wait3A_18 = tpu.memref_slice %arg3[%add3A_11] : memref<8192xi32, #tpu.memory_space<hbm>> -> memref<128xi32, #tpu.memory_space<hbm>>
        %dma_wait3A_19 = tpu.memref_slice %arg3[%add3A_11] : memref<8192xi32, #tpu.memory_space<hbm>> -> memref<128xi32, #tpu.memory_space<hbm>>
        tpu.wait_dma2 semaphore(%run_scoped3A : memref<!tpu.dma_semaphore, #tpu.memory_space<semaphore_mem>>) src(%dma_wait3A_19 : memref<128xi32, #tpu.memory_space<hbm>>) dst(%arg5 : memref<128xi32, #tpu.memory_space<vmem>>)
        tpu.yield
      }) : () -> ()
      %dma_start3A = arith.constant 0 : i32
      %dma_start3A_12 = arith.constant 0 : i32
      %dma_start3A_13 = tpu.memref_slice %arg2[%dma_start3A, %dma_start3A_12] : memref<16384x48xf32, #tpu.memory_space<hbm>> -> memref<16384x48xf32, #tpu.memory_space<hbm>>
      tpu.enqueue_indirect_dma source(%dma_start3A_13 : memref<16384x48xf32, #tpu.memory_space<hbm>>) target(%arg6 : memref<128x48xf32, #tpu.memory_space<vmem>>) offsets(%arg5 : memref<128xi32, #tpu.memory_space<vmem>>) semaphore(%arg7 : memref<!tpu.dma_semaphore, #tpu.memory_space<semaphore_mem>>)
      %dma_wait3A = arith.constant 0 : i32
      %dma_wait3A_14 = arith.constant 0 : i32
      %dma_wait3A_15 = tpu.memref_slice %arg2[%dma_wait3A, %dma_wait3A_14] : memref<16384x48xf32, #tpu.memory_space<hbm>> -> memref<16384x48xf32, #tpu.memory_space<hbm>>
      tpu.wait_indirect_dma semaphore(%arg7 : memref<!tpu.dma_semaphore, #tpu.memory_space<semaphore_mem>>) src(%dma_wait3A_15 : memref<16384x48xf32, #tpu.memory_space<hbm>>) dst(%arg6 : memref<128x48xf32, #tpu.memory_space<vmem>>)
      "tpu.region"() ({
        %run_scoped3A = tpu.sem_alloc : memref<!tpu.dma_semaphore, #tpu.memory_space<semaphore_mem>>
        %dma_start3A_16 = arith.constant 0 : i32
        %dma_start3A_17 = tpu.memref_slice %arg4[%add3A_11, %dma_start3A_16] : memref<8192x48xf32, #tpu.memory_space<hbm>> -> memref<128x48xf32, #tpu.memory_space<hbm>>
        %dma_start3A_18 = arith.constant 0 : i32
        %dma_start3A_19 = tpu.memref_slice %arg4[%add3A_11, %dma_start3A_18] : memref<8192x48xf32, #tpu.memory_space<hbm>> -> memref<128x48xf32, #tpu.memory_space<hbm>>
        tpu.enqueue_dma source(%arg6 : memref<128x48xf32, #tpu.memory_space<vmem>>) target(%dma_start3A_19 : memref<128x48xf32, #tpu.memory_space<hbm>>) target_semaphore(%run_scoped3A : memref<!tpu.dma_semaphore, #tpu.memory_space<semaphore_mem>>)
        %dma_wait3A_20 = arith.constant 0 : i32
        %dma_wait3A_21 = tpu.memref_slice %arg4[%add3A_11, %dma_wait3A_20] : memref<8192x48xf32, #tpu.memory_space<hbm>> -> memref<128x48xf32, #tpu.memory_space<hbm>>
        %dma_wait3A_22 = arith.constant 0 : i32
        %dma_wait3A_23 = tpu.memref_slice %arg4[%add3A_11, %dma_wait3A_22] : memref<8192x48xf32, #tpu.memory_space<hbm>> -> memref<128x48xf32, #tpu.memory_space<hbm>>
        tpu.wait_dma2 semaphore(%run_scoped3A : memref<!tpu.dma_semaphore, #tpu.memory_space<semaphore_mem>>) src(%arg6 : memref<128x48xf32, #tpu.memory_space<vmem>>) dst(%dma_wait3A_23 : memref<128x48xf32, #tpu.memory_space<hbm>>)
        tpu.yield
      }) : () -> ()
    }
    %scan3A_7 = arith.constant 2 : i32
    return
  }
}

#map = affine_map<(d0, d1) -> (0, 0)>
#map1 = affine_map<(d0, d1) -> (0)>
module attributes {stable_mosaic.version = 14 : i64} {
  func.func @gather_k(%arg0: i32, %arg1: i32, %arg2: memref<8192x32xf32, #tpu.memory_space<hbm>>, %arg3: memref<65536xi32, #tpu.memory_space<hbm>>, %arg4: memref<65536x32xf32, #tpu.memory_space<hbm>>, %arg5: memref<128xi32, #tpu.memory_space<vmem>>, %arg6: memref<128x32xf32, #tpu.memory_space<vmem>>, %arg7: memref<!tpu.dma_semaphore, #tpu.memory_space<semaphore_mem>>) attributes {dimension_semantics = [#tpu.dimension_semantics<core_parallel>, #tpu.dimension_semantics<subcore_parallel>], iteration_bounds = array<i64: 2, 16>, scalar_prefetch = 0 : i64, scratch_operands = 3 : i64, tpu.core_type = #tpu.core_type<sc_vector_subcore>, window_params = [{transform_indices = #map}, {transform_indices = #map1}, {transform_indices = #map}]} {
    %mul3A = arith.constant 2 : i32
    %mul3A_0 = arith.muli %arg1, %mul3A : i32
    %add3A = arith.addi %mul3A_0, %arg0 : i32
    %mul3A_1 = arith.constant 2048 : i32
    %mul3A_2 = arith.muli %add3A, %mul3A_1 : i32
    %scan3A = arith.constant 0 : i32
    %scan3A_3 = arith.constant 0 : i32
    %scan3A_4 = arith.constant 16 : i32
    %scan3A_5 = arith.addi %scan3A_3, %scan3A_4 : i32
    %scan3A_6 = arith.constant 1 : i32
    scf.for %scan3A_8 = %scan3A_3 to %scan3A_5 step %scan3A_6  : i32 {
      %mul3A_9 = arith.constant 128 : i32
      %mul3A_10 = arith.muli %scan3A_8, %mul3A_9 : i32
      %add3A_11 = arith.addi %mul3A_2, %mul3A_10 : i32
      "tpu.region"() ({
        %run_scoped3A = tpu.sem_alloc : memref<!tpu.dma_semaphore, #tpu.memory_space<semaphore_mem>>
        %dma_start3A_16 = tpu.memref_slice %arg3[%add3A_11] : memref<65536xi32, #tpu.memory_space<hbm>> -> memref<128xi32, #tpu.memory_space<hbm>>
        %dma_start3A_17 = tpu.memref_slice %arg3[%add3A_11] : memref<65536xi32, #tpu.memory_space<hbm>> -> memref<128xi32, #tpu.memory_space<hbm>>
        tpu.enqueue_dma source(%dma_start3A_17 : memref<128xi32, #tpu.memory_space<hbm>>) target(%arg5 : memref<128xi32, #tpu.memory_space<vmem>>) target_semaphore(%run_scoped3A : memref<!tpu.dma_semaphore, #tpu.memory_space<semaphore_mem>>)
        %dma_wait3A_18 = tpu.memref_slice %arg3[%add3A_11] : memref<65536xi32, #tpu.memory_space<hbm>> -> memref<128xi32, #tpu.memory_space<hbm>>
        %dma_wait3A_19 = tpu.memref_slice %arg3[%add3A_11] : memref<65536xi32, #tpu.memory_space<hbm>> -> memref<128xi32, #tpu.memory_space<hbm>>
        tpu.wait_dma2 semaphore(%run_scoped3A : memref<!tpu.dma_semaphore, #tpu.memory_space<semaphore_mem>>) src(%dma_wait3A_19 : memref<128xi32, #tpu.memory_space<hbm>>) dst(%arg5 : memref<128xi32, #tpu.memory_space<vmem>>)
        tpu.yield
      }) : () -> ()
      %dma_start3A = arith.constant 0 : i32
      %dma_start3A_12 = arith.constant 0 : i32
      %dma_start3A_13 = tpu.memref_slice %arg2[%dma_start3A, %dma_start3A_12] : memref<8192x32xf32, #tpu.memory_space<hbm>> -> memref<8192x32xf32, #tpu.memory_space<hbm>>
      tpu.enqueue_indirect_dma source(%dma_start3A_13 : memref<8192x32xf32, #tpu.memory_space<hbm>>) target(%arg6 : memref<128x32xf32, #tpu.memory_space<vmem>>) offsets(%arg5 : memref<128xi32, #tpu.memory_space<vmem>>) semaphore(%arg7 : memref<!tpu.dma_semaphore, #tpu.memory_space<semaphore_mem>>)
      %dma_wait3A = arith.constant 0 : i32
      %dma_wait3A_14 = arith.constant 0 : i32
      %dma_wait3A_15 = tpu.memref_slice %arg2[%dma_wait3A, %dma_wait3A_14] : memref<8192x32xf32, #tpu.memory_space<hbm>> -> memref<8192x32xf32, #tpu.memory_space<hbm>>
      tpu.wait_indirect_dma semaphore(%arg7 : memref<!tpu.dma_semaphore, #tpu.memory_space<semaphore_mem>>) src(%dma_wait3A_15 : memref<8192x32xf32, #tpu.memory_space<hbm>>) dst(%arg6 : memref<128x32xf32, #tpu.memory_space<vmem>>)
      "tpu.region"() ({
        %run_scoped3A = tpu.sem_alloc : memref<!tpu.dma_semaphore, #tpu.memory_space<semaphore_mem>>
        %dma_start3A_16 = arith.constant 0 : i32
        %dma_start3A_17 = tpu.memref_slice %arg4[%add3A_11, %dma_start3A_16] : memref<65536x32xf32, #tpu.memory_space<hbm>> -> memref<128x32xf32, #tpu.memory_space<hbm>>
        %dma_start3A_18 = arith.constant 0 : i32
        %dma_start3A_19 = tpu.memref_slice %arg4[%add3A_11, %dma_start3A_18] : memref<65536x32xf32, #tpu.memory_space<hbm>> -> memref<128x32xf32, #tpu.memory_space<hbm>>
        tpu.enqueue_dma source(%arg6 : memref<128x32xf32, #tpu.memory_space<vmem>>) target(%dma_start3A_19 : memref<128x32xf32, #tpu.memory_space<hbm>>) target_semaphore(%run_scoped3A : memref<!tpu.dma_semaphore, #tpu.memory_space<semaphore_mem>>)
        %dma_wait3A_20 = arith.constant 0 : i32
        %dma_wait3A_21 = tpu.memref_slice %arg4[%add3A_11, %dma_wait3A_20] : memref<65536x32xf32, #tpu.memory_space<hbm>> -> memref<128x32xf32, #tpu.memory_space<hbm>>
        %dma_wait3A_22 = arith.constant 0 : i32
        %dma_wait3A_23 = tpu.memref_slice %arg4[%add3A_11, %dma_wait3A_22] : memref<65536x32xf32, #tpu.memory_space<hbm>> -> memref<128x32xf32, #tpu.memory_space<hbm>>
        tpu.wait_dma2 semaphore(%run_scoped3A : memref<!tpu.dma_semaphore, #tpu.memory_space<semaphore_mem>>) src(%arg6 : memref<128x32xf32, #tpu.memory_space<vmem>>) dst(%dma_wait3A_23 : memref<128x32xf32, #tpu.memory_space<hbm>>)
        tpu.yield
      }) : () -> ()
    }
    %scan3A_7 = arith.constant 16 : i32
    return
  }
}

module attributes {stable_mosaic.version = 14 : i64} {
  func.func @_knn_body(%arg0: i32, %arg1: i32, %arg2: memref<256x8xf32, #tpu.memory_space<vmem>>, %arg3: memref<8x512xf32, #tpu.memory_space<vmem>>, %arg4: memref<256x8xf32, #tpu.memory_space<vmem>>, %arg5: memref<256x8xi32, #tpu.memory_space<vmem>>, %arg6: memref<256x8xf32, #tpu.memory_space<vmem>>, %arg7: memref<256x8xi32, #tpu.memory_space<vmem>>) attributes {dimension_semantics = [#tpu.dimension_semantics<parallel>, #tpu.dimension_semantics<arbitrary>], iteration_bounds = array<i64: 32, 16>, scalar_prefetch = 0 : i64, scratch_operands = 2 : i64, tpu.core_type = #tpu.core_type<tc>, window_params = [{transform_indices = @transform_0, window_bounds = array<i64: 256, 8>}, {transform_indices = @transform_1, window_bounds = array<i64: 8, 512>}, {transform_indices = @transform_2, window_bounds = array<i64: 256, 8>}, {transform_indices = @transform_3, window_bounds = array<i64: 256, 8>}]} {
    %eq3A = arith.constant 0 : i32
    %eq3A_0 = arith.cmpi eq, %arg1, %eq3A : i32
    %convert_element_type3A = arith.extui %eq3A_0 : i1 to i32
    %cond3A = arith.constant 0 : i32
    %cond3A_1 = arith.cmpi ne, %convert_element_type3A, %cond3A : i32
    scf.if %cond3A_1 {
      %broadcast_in_dim3A_342 = arith.constant 0x7F800000 : f32
      %broadcast_in_dim3A_343 = vector.broadcast %broadcast_in_dim3A_342 : f32 to vector<256x8xf32>
      %swap3A_344 = arith.constant 0 : index
      %swap3A_345 = arith.constant 0 : index
      %swap3A_346 = vector.load %arg6[%swap3A_344, %swap3A_345] : memref<256x8xf32, #tpu.memory_space<vmem>>, vector<256x8xf32>
      tpu.vector_store %arg6[%swap3A_344, %swap3A_345], %broadcast_in_dim3A_343 {strides = array<i32>} : memref<256x8xf32, #tpu.memory_space<vmem>>, vector<256x8xf32>,
      %broadcast_in_dim3A_347 = arith.constant 0 : i32
      %broadcast_in_dim3A_348 = vector.broadcast %broadcast_in_dim3A_347 : i32 to vector<256x8xi32>
      %swap3A_349 = arith.constant 0 : index
      %swap3A_350 = arith.constant 0 : index
      %swap3A_351 = vector.load %arg7[%swap3A_349, %swap3A_350] : memref<256x8xi32, #tpu.memory_space<vmem>>, vector<256x8xi32>
      tpu.vector_store %arg7[%swap3A_349, %swap3A_350], %broadcast_in_dim3A_348 {strides = array<i32>} : memref<256x8xi32, #tpu.memory_space<vmem>>, vector<256x8xi32>,
    } else {
    }
    %get3A = arith.constant 0 : index
    %get3A_2 = arith.constant 0 : index
    %get3A_3 = vector.load %arg2[%get3A, %get3A_2] : memref<256x8xf32, #tpu.memory_space<vmem>>, vector<256x8xf32>
    %get3A_4 = arith.constant 0 : index
    %get3A_5 = arith.constant 0 : index
    %get3A_6 = vector.load %arg3[%get3A_4, %get3A_5] : memref<8x512xf32, #tpu.memory_space<vmem>>, vector<8x512xf32>
    %slice3A = vector.extract_strided_slice %get3A_3 {offsets = [0, 0], sizes = [256, 1], strides = [1, 1]} : vector<256x8xf32> to vector<256x1xf32>
    %slice3A_7 = vector.extract_strided_slice %get3A_6 {offsets = [0, 0], sizes = [1, 512], strides = [1, 1]} : vector<8x512xf32> to vector<1x512xf32>
    %sub3A = vector.broadcast %slice3A : vector<256x1xf32> to vector<256x512xf32>
    %sub3A_8 = vector.broadcast %slice3A_7 : vector<1x512xf32> to vector<256x512xf32>
    %sub3A_9 = arith.subf %sub3A, %sub3A_8 : vector<256x512xf32>
    %integer_pow3A = arith.mulf %sub3A_9, %sub3A_9 : vector<256x512xf32>
    %slice3A_10 = vector.extract_strided_slice %get3A_3 {offsets = [0, 1], sizes = [256, 1], strides = [1, 1]} : vector<256x8xf32> to vector<256x1xf32>
    %slice3A_11 = vector.extract_strided_slice %get3A_6 {offsets = [1, 0], sizes = [1, 512], strides = [1, 1]} : vector<8x512xf32> to vector<1x512xf32>
    %sub3A_12 = vector.broadcast %slice3A_10 : vector<256x1xf32> to vector<256x512xf32>
    %sub3A_13 = vector.broadcast %slice3A_11 : vector<1x512xf32> to vector<256x512xf32>
    %sub3A_14 = arith.subf %sub3A_12, %sub3A_13 : vector<256x512xf32>
    %integer_pow3A_15 = arith.mulf %sub3A_14, %sub3A_14 : vector<256x512xf32>
    %add3A = arith.addf %integer_pow3A, %integer_pow3A_15 : vector<256x512xf32>
    %slice3A_16 = vector.extract_strided_slice %get3A_3 {offsets = [0, 2], sizes = [256, 1], strides = [1, 1]} : vector<256x8xf32> to vector<256x1xf32>
    %slice3A_17 = vector.extract_strided_slice %get3A_6 {offsets = [2, 0], sizes = [1, 512], strides = [1, 1]} : vector<8x512xf32> to vector<1x512xf32>
    %sub3A_18 = vector.broadcast %slice3A_16 : vector<256x1xf32> to vector<256x512xf32>
    %sub3A_19 = vector.broadcast %slice3A_17 : vector<1x512xf32> to vector<256x512xf32>
    %sub3A_20 = arith.subf %sub3A_18, %sub3A_19 : vector<256x512xf32>
    %integer_pow3A_21 = arith.mulf %sub3A_20, %sub3A_20 : vector<256x512xf32>
    %add3A_22 = arith.addf %add3A, %integer_pow3A_21 : vector<256x512xf32>
    %mul3A = arith.constant 512 : i32
    %mul3A_23 = arith.muli %arg1, %mul3A : i32
    %iota3A = tpu.iota {dimensions = array<i32: 1>} : vector<256x512xi32>
    %add3A_24 = vector.broadcast %mul3A_23 : i32 to vector<256x512xi32>
    %add3A_25 = arith.addi %add3A_24, %iota3A : vector<256x512xi32>
    %get3A_26 = arith.constant 0 : index
    %get3A_27 = arith.constant 0 : index
    %get3A_28 = vector.load %arg6[%get3A_26, %get3A_27] : memref<256x8xf32, #tpu.memory_space<vmem>>, vector<256x8xf32>
    %get3A_29 = arith.constant 0 : index
    %get3A_30 = arith.constant 0 : index
    %get3A_31 = vector.load %arg7[%get3A_29, %get3A_30] : memref<256x8xi32, #tpu.memory_space<vmem>>, vector<256x8xi32>
    %iota3A_32 = tpu.iota {dimensions = array<i32: 1>} : vector<256x8xi32>
    %reduce_min3A = arith.constant dense<0x7F800000> : vector<256xf32>
    %reduce_min3A_33 = vector.multi_reduction <minimumf>, %add3A_22, %reduce_min3A [1] : vector<256x512xf32> to vector<256xf32>
    %broadcast_in_dim3A = vector.shape_cast %reduce_min3A_33 : vector<256xf32> to vector<256x1xf32>
    %eq3A_34 = vector.broadcast %broadcast_in_dim3A : vector<256x1xf32> to vector<256x512xf32>
    %eq3A_35 = arith.cmpf oeq, %add3A_22, %eq3A_34 : vector<256x512xf32>
    %jit3A = arith.constant 1073741824 : i32
    %broadcast_in_dim3A_36 = vector.broadcast %jit3A : i32 to vector<256x512xi32>
    %select_n3A = arith.select %eq3A_35, %add3A_25, %broadcast_in_dim3A_36 : vector<256x512xi1>, vector<256x512xi32>
    %reduce_min3A_37 = arith.constant dense<2147483647> : vector<256xi32>
    %reduce_min3A_38 = vector.multi_reduction <minsi>, %select_n3A, %reduce_min3A_37 [1] : vector<256x512xi32> to vector<256xi32>
    %broadcast_in_dim3A_39 = vector.shape_cast %reduce_min3A_38 : vector<256xi32> to vector<256x1xi32>
    %eq3A_40 = vector.broadcast %broadcast_in_dim3A_39 : vector<256x1xi32> to vector<256x512xi32>
    %eq3A_41 = arith.cmpi eq, %add3A_25, %eq3A_40 : vector<256x512xi32>
    %and3A = arith.andi %eq3A_35, %eq3A_41 : vector<256x512xi1>
    %jit3A_42 = arith.constant 0x7F800000 : f32
    %broadcast_in_dim3A_43 = vector.broadcast %jit3A_42 : f32 to vector<256x512xf32>
    %select_n3A_44 = arith.select %and3A, %broadcast_in_dim3A_43, %add3A_22 : vector<256x512xi1>, vector<256x512xf32>
    %reduce_max3A = arith.constant dense<0xFF800000> : vector<256xf32>
    %reduce_max3A_45 = vector.multi_reduction <maximumf>, %get3A_28, %reduce_max3A [1] : vector<256x8xf32> to vector<256xf32>
    %broadcast_in_dim3A_46 = vector.shape_cast %reduce_max3A_45 : vector<256xf32> to vector<256x1xf32>
    %lt3A = arith.cmpf olt, %broadcast_in_dim3A, %broadcast_in_dim3A_46 : vector<256x1xf32>
    %eq3A_47 = vector.broadcast %broadcast_in_dim3A_46 : vector<256x1xf32> to vector<256x8xf32>
    %eq3A_48 = arith.cmpf oeq, %get3A_28, %eq3A_47 : vector<256x8xf32>
    %jit3A_49 = arith.constant 8 : i32
    %broadcast_in_dim3A_50 = vector.broadcast %jit3A_49 : i32 to vector<256x8xi32>
    %select_n3A_51 = arith.select %eq3A_48, %iota3A_32, %broadcast_in_dim3A_50 : vector<256x8xi1>, vector<256x8xi32>
    %reduce_min3A_52 = arith.constant dense<2147483647> : vector<256xi32>
    %reduce_min3A_53 = vector.multi_reduction <minsi>, %select_n3A_51, %reduce_min3A_52 [1] : vector<256x8xi32> to vector<256xi32>
    %broadcast_in_dim3A_54 = vector.shape_cast %reduce_min3A_53 : vector<256xi32> to vector<256x1xi32>
    %eq3A_55 = vector.broadcast %broadcast_in_dim3A_54 : vector<256x1xi32> to vector<256x8xi32>
    %eq3A_56 = arith.cmpi eq, %iota3A_32, %eq3A_55 : vector<256x8xi32>
    %and3A_57 = vector.broadcast %lt3A : vector<256x1xi1> to vector<256x8xi1>
    %and3A_58 = arith.andi %eq3A_56, %and3A_57 : vector<256x8xi1>
    %broadcast_in_dim3A_59 = vector.shape_cast %broadcast_in_dim3A : vector<256x1xf32> to vector<256x1xf32>
    %broadcast_in_dim3A_60 = vector.broadcast %broadcast_in_dim3A_59 : vector<256x1xf32> to vector<256x8xf32>
    %select_n3A_61 = arith.select %and3A_58, %broadcast_in_dim3A_60, %get3A_28 : vector<256x8xi1>, vector<256x8xf32>
    %broadcast_in_dim3A_62 = vector.shape_cast %broadcast_in_dim3A_39 : vector<256x1xi32> to vector<256x1xi32>
    %broadcast_in_dim3A_63 = vector.broadcast %broadcast_in_dim3A_62 : vector<256x1xi32> to vector<256x8xi32>
    %select_n3A_64 = arith.select %and3A_58, %broadcast_in_dim3A_63, %get3A_31 : vector<256x8xi1>, vector<256x8xi32>
    %reduce_min3A_65 = arith.constant dense<0x7F800000> : vector<256xf32>
    %reduce_min3A_66 = vector.multi_reduction <minimumf>, %select_n3A_44, %reduce_min3A_65 [1] : vector<256x512xf32> to vector<256xf32>
    %broadcast_in_dim3A_67 = vector.shape_cast %reduce_min3A_66 : vector<256xf32> to vector<256x1xf32>
    %eq3A_68 = vector.broadcast %broadcast_in_dim3A_67 : vector<256x1xf32> to vector<256x512xf32>
    %eq3A_69 = arith.cmpf oeq, %select_n3A_44, %eq3A_68 : vector<256x512xf32>
    %jit3A_70 = arith.constant 1073741824 : i32
    %broadcast_in_dim3A_71 = vector.broadcast %jit3A_70 : i32 to vector<256x512xi32>
    %select_n3A_72 = arith.select %eq3A_69, %add3A_25, %broadcast_in_dim3A_71 : vector<256x512xi1>, vector<256x512xi32>
    %reduce_min3A_73 = arith.constant dense<2147483647> : vector<256xi32>
    %reduce_min3A_74 = vector.multi_reduction <minsi>, %select_n3A_72, %reduce_min3A_73 [1] : vector<256x512xi32> to vector<256xi32>
    %broadcast_in_dim3A_75 = vector.shape_cast %reduce_min3A_74 : vector<256xi32> to vector<256x1xi32>
    %eq3A_76 = vector.broadcast %broadcast_in_dim3A_75 : vector<256x1xi32> to vector<256x512xi32>
    %eq3A_77 = arith.cmpi eq, %add3A_25, %eq3A_76 : vector<256x512xi32>
    %and3A_78 = arith.andi %eq3A_69, %eq3A_77 : vector<256x512xi1>
    %jit3A_79 = arith.constant 0x7F800000 : f32
    %broadcast_in_dim3A_80 = vector.broadcast %jit3A_79 : f32 to vector<256x512xf32>
    %select_n3A_81 = arith.select %and3A_78, %broadcast_in_dim3A_80, %select_n3A_44 : vector<256x512xi1>, vector<256x512xf32>
    %reduce_max3A_82 = arith.constant dense<0xFF800000> : vector<256xf32>
    %reduce_max3A_83 = vector.multi_reduction <maximumf>, %select_n3A_61, %reduce_max3A_82 [1] : vector<256x8xf32> to vector<256xf32>
    %broadcast_in_dim3A_84 = vector.shape_cast %reduce_max3A_83 : vector<256xf32> to vector<256x1xf32>
    %lt3A_85 = arith.cmpf olt, %broadcast_in_dim3A_67, %broadcast_in_dim3A_84 : vector<256x1xf32>
    %eq3A_86 = vector.broadcast %broadcast_in_dim3A_84 : vector<256x1xf32> to vector<256x8xf32>
    %eq3A_87 = arith.cmpf oeq, %select_n3A_61, %eq3A_86 : vector<256x8xf32>
    %jit3A_88 = arith.constant 8 : i32
    %broadcast_in_dim3A_89 = vector.broadcast %jit3A_88 : i32 to vector<256x8xi32>
    %select_n3A_90 = arith.select %eq3A_87, %iota3A_32, %broadcast_in_dim3A_89 : vector<256x8xi1>, vector<256x8xi32>
    %reduce_min3A_91 = arith.constant dense<2147483647> : vector<256xi32>
    %reduce_min3A_92 = vector.multi_reduction <minsi>, %select_n3A_90, %reduce_min3A_91 [1] : vector<256x8xi32> to vector<256xi32>
    %broadcast_in_dim3A_93 = vector.shape_cast %reduce_min3A_92 : vector<256xi32> to vector<256x1xi32>
    %eq3A_94 = vector.broadcast %broadcast_in_dim3A_93 : vector<256x1xi32> to vector<256x8xi32>
    %eq3A_95 = arith.cmpi eq, %iota3A_32, %eq3A_94 : vector<256x8xi32>
    %and3A_96 = vector.broadcast %lt3A_85 : vector<256x1xi1> to vector<256x8xi1>
    %and3A_97 = arith.andi %eq3A_95, %and3A_96 : vector<256x8xi1>
    %broadcast_in_dim3A_98 = vector.shape_cast %broadcast_in_dim3A_67 : vector<256x1xf32> to vector<256x1xf32>
    %broadcast_in_dim3A_99 = vector.broadcast %broadcast_in_dim3A_98 : vector<256x1xf32> to vector<256x8xf32>
    %select_n3A_100 = arith.select %and3A_97, %broadcast_in_dim3A_99, %select_n3A_61 : vector<256x8xi1>, vector<256x8xf32>
    %broadcast_in_dim3A_101 = vector.shape_cast %broadcast_in_dim3A_75 : vector<256x1xi32> to vector<256x1xi32>
    %broadcast_in_dim3A_102 = vector.broadcast %broadcast_in_dim3A_101 : vector<256x1xi32> to vector<256x8xi32>
    %select_n3A_103 = arith.select %and3A_97, %broadcast_in_dim3A_102, %select_n3A_64 : vector<256x8xi1>, vector<256x8xi32>
    %reduce_min3A_104 = arith.constant dense<0x7F800000> : vector<256xf32>
    %reduce_min3A_105 = vector.multi_reduction <minimumf>, %select_n3A_81, %reduce_min3A_104 [1] : vector<256x512xf32> to vector<256xf32>
    %broadcast_in_dim3A_106 = vector.shape_cast %reduce_min3A_105 : vector<256xf32> to vector<256x1xf32>
    %eq3A_107 = vector.broadcast %broadcast_in_dim3A_106 : vector<256x1xf32> to vector<256x512xf32>
    %eq3A_108 = arith.cmpf oeq, %select_n3A_81, %eq3A_107 : vector<256x512xf32>
    %jit3A_109 = arith.constant 1073741824 : i32
    %broadcast_in_dim3A_110 = vector.broadcast %jit3A_109 : i32 to vector<256x512xi32>
    %select_n3A_111 = arith.select %eq3A_108, %add3A_25, %broadcast_in_dim3A_110 : vector<256x512xi1>, vector<256x512xi32>
    %reduce_min3A_112 = arith.constant dense<2147483647> : vector<256xi32>
    %reduce_min3A_113 = vector.multi_reduction <minsi>, %select_n3A_111, %reduce_min3A_112 [1] : vector<256x512xi32> to vector<256xi32>
    %broadcast_in_dim3A_114 = vector.shape_cast %reduce_min3A_113 : vector<256xi32> to vector<256x1xi32>
    %eq3A_115 = vector.broadcast %broadcast_in_dim3A_114 : vector<256x1xi32> to vector<256x512xi32>
    %eq3A_116 = arith.cmpi eq, %add3A_25, %eq3A_115 : vector<256x512xi32>
    %and3A_117 = arith.andi %eq3A_108, %eq3A_116 : vector<256x512xi1>
    %jit3A_118 = arith.constant 0x7F800000 : f32
    %broadcast_in_dim3A_119 = vector.broadcast %jit3A_118 : f32 to vector<256x512xf32>
    %select_n3A_120 = arith.select %and3A_117, %broadcast_in_dim3A_119, %select_n3A_81 : vector<256x512xi1>, vector<256x512xf32>
    %reduce_max3A_121 = arith.constant dense<0xFF800000> : vector<256xf32>
    %reduce_max3A_122 = vector.multi_reduction <maximumf>, %select_n3A_100, %reduce_max3A_121 [1] : vector<256x8xf32> to vector<256xf32>
    %broadcast_in_dim3A_123 = vector.shape_cast %reduce_max3A_122 : vector<256xf32> to vector<256x1xf32>
    %lt3A_124 = arith.cmpf olt, %broadcast_in_dim3A_106, %broadcast_in_dim3A_123 : vector<256x1xf32>
    %eq3A_125 = vector.broadcast %broadcast_in_dim3A_123 : vector<256x1xf32> to vector<256x8xf32>
    %eq3A_126 = arith.cmpf oeq, %select_n3A_100, %eq3A_125 : vector<256x8xf32>
    %jit3A_127 = arith.constant 8 : i32
    %broadcast_in_dim3A_128 = vector.broadcast %jit3A_127 : i32 to vector<256x8xi32>
    %select_n3A_129 = arith.select %eq3A_126, %iota3A_32, %broadcast_in_dim3A_128 : vector<256x8xi1>, vector<256x8xi32>
    %reduce_min3A_130 = arith.constant dense<2147483647> : vector<256xi32>
    %reduce_min3A_131 = vector.multi_reduction <minsi>, %select_n3A_129, %reduce_min3A_130 [1] : vector<256x8xi32> to vector<256xi32>
    %broadcast_in_dim3A_132 = vector.shape_cast %reduce_min3A_131 : vector<256xi32> to vector<256x1xi32>
    %eq3A_133 = vector.broadcast %broadcast_in_dim3A_132 : vector<256x1xi32> to vector<256x8xi32>
    %eq3A_134 = arith.cmpi eq, %iota3A_32, %eq3A_133 : vector<256x8xi32>
    %and3A_135 = vector.broadcast %lt3A_124 : vector<256x1xi1> to vector<256x8xi1>
    %and3A_136 = arith.andi %eq3A_134, %and3A_135 : vector<256x8xi1>
    %broadcast_in_dim3A_137 = vector.shape_cast %broadcast_in_dim3A_106 : vector<256x1xf32> to vector<256x1xf32>
    %broadcast_in_dim3A_138 = vector.broadcast %broadcast_in_dim3A_137 : vector<256x1xf32> to vector<256x8xf32>
    %select_n3A_139 = arith.select %and3A_136, %broadcast_in_dim3A_138, %select_n3A_100 : vector<256x8xi1>, vector<256x8xf32>
    %broadcast_in_dim3A_140 = vector.shape_cast %broadcast_in_dim3A_114 : vector<256x1xi32> to vector<256x1xi32>
    %broadcast_in_dim3A_141 = vector.broadcast %broadcast_in_dim3A_140 : vector<256x1xi32> to vector<256x8xi32>
    %select_n3A_142 = arith.select %and3A_136, %broadcast_in_dim3A_141, %select_n3A_103 : vector<256x8xi1>, vector<256x8xi32>
    %reduce_min3A_143 = arith.constant dense<0x7F800000> : vector<256xf32>
    %reduce_min3A_144 = vector.multi_reduction <minimumf>, %select_n3A_120, %reduce_min3A_143 [1] : vector<256x512xf32> to vector<256xf32>
    %broadcast_in_dim3A_145 = vector.shape_cast %reduce_min3A_144 : vector<256xf32> to vector<256x1xf32>
    %eq3A_146 = vector.broadcast %broadcast_in_dim3A_145 : vector<256x1xf32> to vector<256x512xf32>
    %eq3A_147 = arith.cmpf oeq, %select_n3A_120, %eq3A_146 : vector<256x512xf32>
    %jit3A_148 = arith.constant 1073741824 : i32
    %broadcast_in_dim3A_149 = vector.broadcast %jit3A_148 : i32 to vector<256x512xi32>
    %select_n3A_150 = arith.select %eq3A_147, %add3A_25, %broadcast_in_dim3A_149 : vector<256x512xi1>, vector<256x512xi32>
    %reduce_min3A_151 = arith.constant dense<2147483647> : vector<256xi32>
    %reduce_min3A_152 = vector.multi_reduction <minsi>, %select_n3A_150, %reduce_min3A_151 [1] : vector<256x512xi32> to vector<256xi32>
    %broadcast_in_dim3A_153 = vector.shape_cast %reduce_min3A_152 : vector<256xi32> to vector<256x1xi32>
    %eq3A_154 = vector.broadcast %broadcast_in_dim3A_153 : vector<256x1xi32> to vector<256x512xi32>
    %eq3A_155 = arith.cmpi eq, %add3A_25, %eq3A_154 : vector<256x512xi32>
    %and3A_156 = arith.andi %eq3A_147, %eq3A_155 : vector<256x512xi1>
    %jit3A_157 = arith.constant 0x7F800000 : f32
    %broadcast_in_dim3A_158 = vector.broadcast %jit3A_157 : f32 to vector<256x512xf32>
    %select_n3A_159 = arith.select %and3A_156, %broadcast_in_dim3A_158, %select_n3A_120 : vector<256x512xi1>, vector<256x512xf32>
    %reduce_max3A_160 = arith.constant dense<0xFF800000> : vector<256xf32>
    %reduce_max3A_161 = vector.multi_reduction <maximumf>, %select_n3A_139, %reduce_max3A_160 [1] : vector<256x8xf32> to vector<256xf32>
    %broadcast_in_dim3A_162 = vector.shape_cast %reduce_max3A_161 : vector<256xf32> to vector<256x1xf32>
    %lt3A_163 = arith.cmpf olt, %broadcast_in_dim3A_145, %broadcast_in_dim3A_162 : vector<256x1xf32>
    %eq3A_164 = vector.broadcast %broadcast_in_dim3A_162 : vector<256x1xf32> to vector<256x8xf32>
    %eq3A_165 = arith.cmpf oeq, %select_n3A_139, %eq3A_164 : vector<256x8xf32>
    %jit3A_166 = arith.constant 8 : i32
    %broadcast_in_dim3A_167 = vector.broadcast %jit3A_166 : i32 to vector<256x8xi32>
    %select_n3A_168 = arith.select %eq3A_165, %iota3A_32, %broadcast_in_dim3A_167 : vector<256x8xi1>, vector<256x8xi32>
    %reduce_min3A_169 = arith.constant dense<2147483647> : vector<256xi32>
    %reduce_min3A_170 = vector.multi_reduction <minsi>, %select_n3A_168, %reduce_min3A_169 [1] : vector<256x8xi32> to vector<256xi32>
    %broadcast_in_dim3A_171 = vector.shape_cast %reduce_min3A_170 : vector<256xi32> to vector<256x1xi32>
    %eq3A_172 = vector.broadcast %broadcast_in_dim3A_171 : vector<256x1xi32> to vector<256x8xi32>
    %eq3A_173 = arith.cmpi eq, %iota3A_32, %eq3A_172 : vector<256x8xi32>
    %and3A_174 = vector.broadcast %lt3A_163 : vector<256x1xi1> to vector<256x8xi1>
    %and3A_175 = arith.andi %eq3A_173, %and3A_174 : vector<256x8xi1>
    %broadcast_in_dim3A_176 = vector.shape_cast %broadcast_in_dim3A_145 : vector<256x1xf32> to vector<256x1xf32>
    %broadcast_in_dim3A_177 = vector.broadcast %broadcast_in_dim3A_176 : vector<256x1xf32> to vector<256x8xf32>
    %select_n3A_178 = arith.select %and3A_175, %broadcast_in_dim3A_177, %select_n3A_139 : vector<256x8xi1>, vector<256x8xf32>
    %broadcast_in_dim3A_179 = vector.shape_cast %broadcast_in_dim3A_153 : vector<256x1xi32> to vector<256x1xi32>
    %broadcast_in_dim3A_180 = vector.broadcast %broadcast_in_dim3A_179 : vector<256x1xi32> to vector<256x8xi32>
    %select_n3A_181 = arith.select %and3A_175, %broadcast_in_dim3A_180, %select_n3A_142 : vector<256x8xi1>, vector<256x8xi32>
    %reduce_min3A_182 = arith.constant dense<0x7F800000> : vector<256xf32>
    %reduce_min3A_183 = vector.multi_reduction <minimumf>, %select_n3A_159, %reduce_min3A_182 [1] : vector<256x512xf32> to vector<256xf32>
    %broadcast_in_dim3A_184 = vector.shape_cast %reduce_min3A_183 : vector<256xf32> to vector<256x1xf32>
    %eq3A_185 = vector.broadcast %broadcast_in_dim3A_184 : vector<256x1xf32> to vector<256x512xf32>
    %eq3A_186 = arith.cmpf oeq, %select_n3A_159, %eq3A_185 : vector<256x512xf32>
    %jit3A_187 = arith.constant 1073741824 : i32
    %broadcast_in_dim3A_188 = vector.broadcast %jit3A_187 : i32 to vector<256x512xi32>
    %select_n3A_189 = arith.select %eq3A_186, %add3A_25, %broadcast_in_dim3A_188 : vector<256x512xi1>, vector<256x512xi32>
    %reduce_min3A_190 = arith.constant dense<2147483647> : vector<256xi32>
    %reduce_min3A_191 = vector.multi_reduction <minsi>, %select_n3A_189, %reduce_min3A_190 [1] : vector<256x512xi32> to vector<256xi32>
    %broadcast_in_dim3A_192 = vector.shape_cast %reduce_min3A_191 : vector<256xi32> to vector<256x1xi32>
    %eq3A_193 = vector.broadcast %broadcast_in_dim3A_192 : vector<256x1xi32> to vector<256x512xi32>
    %eq3A_194 = arith.cmpi eq, %add3A_25, %eq3A_193 : vector<256x512xi32>
    %and3A_195 = arith.andi %eq3A_186, %eq3A_194 : vector<256x512xi1>
    %jit3A_196 = arith.constant 0x7F800000 : f32
    %broadcast_in_dim3A_197 = vector.broadcast %jit3A_196 : f32 to vector<256x512xf32>
    %select_n3A_198 = arith.select %and3A_195, %broadcast_in_dim3A_197, %select_n3A_159 : vector<256x512xi1>, vector<256x512xf32>
    %reduce_max3A_199 = arith.constant dense<0xFF800000> : vector<256xf32>
    %reduce_max3A_200 = vector.multi_reduction <maximumf>, %select_n3A_178, %reduce_max3A_199 [1] : vector<256x8xf32> to vector<256xf32>
    %broadcast_in_dim3A_201 = vector.shape_cast %reduce_max3A_200 : vector<256xf32> to vector<256x1xf32>
    %lt3A_202 = arith.cmpf olt, %broadcast_in_dim3A_184, %broadcast_in_dim3A_201 : vector<256x1xf32>
    %eq3A_203 = vector.broadcast %broadcast_in_dim3A_201 : vector<256x1xf32> to vector<256x8xf32>
    %eq3A_204 = arith.cmpf oeq, %select_n3A_178, %eq3A_203 : vector<256x8xf32>
    %jit3A_205 = arith.constant 8 : i32
    %broadcast_in_dim3A_206 = vector.broadcast %jit3A_205 : i32 to vector<256x8xi32>
    %select_n3A_207 = arith.select %eq3A_204, %iota3A_32, %broadcast_in_dim3A_206 : vector<256x8xi1>, vector<256x8xi32>
    %reduce_min3A_208 = arith.constant dense<2147483647> : vector<256xi32>
    %reduce_min3A_209 = vector.multi_reduction <minsi>, %select_n3A_207, %reduce_min3A_208 [1] : vector<256x8xi32> to vector<256xi32>
    %broadcast_in_dim3A_210 = vector.shape_cast %reduce_min3A_209 : vector<256xi32> to vector<256x1xi32>
    %eq3A_211 = vector.broadcast %broadcast_in_dim3A_210 : vector<256x1xi32> to vector<256x8xi32>
    %eq3A_212 = arith.cmpi eq, %iota3A_32, %eq3A_211 : vector<256x8xi32>
    %and3A_213 = vector.broadcast %lt3A_202 : vector<256x1xi1> to vector<256x8xi1>
    %and3A_214 = arith.andi %eq3A_212, %and3A_213 : vector<256x8xi1>
    %broadcast_in_dim3A_215 = vector.shape_cast %broadcast_in_dim3A_184 : vector<256x1xf32> to vector<256x1xf32>
    %broadcast_in_dim3A_216 = vector.broadcast %broadcast_in_dim3A_215 : vector<256x1xf32> to vector<256x8xf32>
    %select_n3A_217 = arith.select %and3A_214, %broadcast_in_dim3A_216, %select_n3A_178 : vector<256x8xi1>, vector<256x8xf32>
    %broadcast_in_dim3A_218 = vector.shape_cast %broadcast_in_dim3A_192 : vector<256x1xi32> to vector<256x1xi32>
    %broadcast_in_dim3A_219 = vector.broadcast %broadcast_in_dim3A_218 : vector<256x1xi32> to vector<256x8xi32>
    %select_n3A_220 = arith.select %and3A_214, %broadcast_in_dim3A_219, %select_n3A_181 : vector<256x8xi1>, vector<256x8xi32>
    %reduce_min3A_221 = arith.constant dense<0x7F800000> : vector<256xf32>
    %reduce_min3A_222 = vector.multi_reduction <minimumf>, %select_n3A_198, %reduce_min3A_221 [1] : vector<256x512xf32> to vector<256xf32>
    %broadcast_in_dim3A_223 = vector.shape_cast %reduce_min3A_222 : vector<256xf32> to vector<256x1xf32>
    %eq3A_224 = vector.broadcast %broadcast_in_dim3A_223 : vector<256x1xf32> to vector<256x512xf32>
    %eq3A_225 = arith.cmpf oeq, %select_n3A_198, %eq3A_224 : vector<256x512xf32>
    %jit3A_226 = arith.constant 1073741824 : i32
    %broadcast_in_dim3A_227 = vector.broadcast %jit3A_226 : i32 to vector<256x512xi32>
    %select_n3A_228 = arith.select %eq3A_225, %add3A_25, %broadcast_in_dim3A_227 : vector<256x512xi1>, vector<256x512xi32>
    %reduce_min3A_229 = arith.constant dense<2147483647> : vector<256xi32>
    %reduce_min3A_230 = vector.multi_reduction <minsi>, %select_n3A_228, %reduce_min3A_229 [1] : vector<256x512xi32> to vector<256xi32>
    %broadcast_in_dim3A_231 = vector.shape_cast %reduce_min3A_230 : vector<256xi32> to vector<256x1xi32>
    %eq3A_232 = vector.broadcast %broadcast_in_dim3A_231 : vector<256x1xi32> to vector<256x512xi32>
    %eq3A_233 = arith.cmpi eq, %add3A_25, %eq3A_232 : vector<256x512xi32>
    %and3A_234 = arith.andi %eq3A_225, %eq3A_233 : vector<256x512xi1>
    %jit3A_235 = arith.constant 0x7F800000 : f32
    %broadcast_in_dim3A_236 = vector.broadcast %jit3A_235 : f32 to vector<256x512xf32>
    %select_n3A_237 = arith.select %and3A_234, %broadcast_in_dim3A_236, %select_n3A_198 : vector<256x512xi1>, vector<256x512xf32>
    %reduce_max3A_238 = arith.constant dense<0xFF800000> : vector<256xf32>
    %reduce_max3A_239 = vector.multi_reduction <maximumf>, %select_n3A_217, %reduce_max3A_238 [1] : vector<256x8xf32> to vector<256xf32>
    %broadcast_in_dim3A_240 = vector.shape_cast %reduce_max3A_239 : vector<256xf32> to vector<256x1xf32>
    %lt3A_241 = arith.cmpf olt, %broadcast_in_dim3A_223, %broadcast_in_dim3A_240 : vector<256x1xf32>
    %eq3A_242 = vector.broadcast %broadcast_in_dim3A_240 : vector<256x1xf32> to vector<256x8xf32>
    %eq3A_243 = arith.cmpf oeq, %select_n3A_217, %eq3A_242 : vector<256x8xf32>
    %jit3A_244 = arith.constant 8 : i32
    %broadcast_in_dim3A_245 = vector.broadcast %jit3A_244 : i32 to vector<256x8xi32>
    %select_n3A_246 = arith.select %eq3A_243, %iota3A_32, %broadcast_in_dim3A_245 : vector<256x8xi1>, vector<256x8xi32>
    %reduce_min3A_247 = arith.constant dense<2147483647> : vector<256xi32>
    %reduce_min3A_248 = vector.multi_reduction <minsi>, %select_n3A_246, %reduce_min3A_247 [1] : vector<256x8xi32> to vector<256xi32>
    %broadcast_in_dim3A_249 = vector.shape_cast %reduce_min3A_248 : vector<256xi32> to vector<256x1xi32>
    %eq3A_250 = vector.broadcast %broadcast_in_dim3A_249 : vector<256x1xi32> to vector<256x8xi32>
    %eq3A_251 = arith.cmpi eq, %iota3A_32, %eq3A_250 : vector<256x8xi32>
    %and3A_252 = vector.broadcast %lt3A_241 : vector<256x1xi1> to vector<256x8xi1>
    %and3A_253 = arith.andi %eq3A_251, %and3A_252 : vector<256x8xi1>
    %broadcast_in_dim3A_254 = vector.shape_cast %broadcast_in_dim3A_223 : vector<256x1xf32> to vector<256x1xf32>
    %broadcast_in_dim3A_255 = vector.broadcast %broadcast_in_dim3A_254 : vector<256x1xf32> to vector<256x8xf32>
    %select_n3A_256 = arith.select %and3A_253, %broadcast_in_dim3A_255, %select_n3A_217 : vector<256x8xi1>, vector<256x8xf32>
    %broadcast_in_dim3A_257 = vector.shape_cast %broadcast_in_dim3A_231 : vector<256x1xi32> to vector<256x1xi32>
    %broadcast_in_dim3A_258 = vector.broadcast %broadcast_in_dim3A_257 : vector<256x1xi32> to vector<256x8xi32>
    %select_n3A_259 = arith.select %and3A_253, %broadcast_in_dim3A_258, %select_n3A_220 : vector<256x8xi1>, vector<256x8xi32>
    %reduce_min3A_260 = arith.constant dense<0x7F800000> : vector<256xf32>
    %reduce_min3A_261 = vector.multi_reduction <minimumf>, %select_n3A_237, %reduce_min3A_260 [1] : vector<256x512xf32> to vector<256xf32>
    %broadcast_in_dim3A_262 = vector.shape_cast %reduce_min3A_261 : vector<256xf32> to vector<256x1xf32>
    %eq3A_263 = vector.broadcast %broadcast_in_dim3A_262 : vector<256x1xf32> to vector<256x512xf32>
    %eq3A_264 = arith.cmpf oeq, %select_n3A_237, %eq3A_263 : vector<256x512xf32>
    %jit3A_265 = arith.constant 1073741824 : i32
    %broadcast_in_dim3A_266 = vector.broadcast %jit3A_265 : i32 to vector<256x512xi32>
    %select_n3A_267 = arith.select %eq3A_264, %add3A_25, %broadcast_in_dim3A_266 : vector<256x512xi1>, vector<256x512xi32>
    %reduce_min3A_268 = arith.constant dense<2147483647> : vector<256xi32>
    %reduce_min3A_269 = vector.multi_reduction <minsi>, %select_n3A_267, %reduce_min3A_268 [1] : vector<256x512xi32> to vector<256xi32>
    %broadcast_in_dim3A_270 = vector.shape_cast %reduce_min3A_269 : vector<256xi32> to vector<256x1xi32>
    %eq3A_271 = vector.broadcast %broadcast_in_dim3A_270 : vector<256x1xi32> to vector<256x512xi32>
    %eq3A_272 = arith.cmpi eq, %add3A_25, %eq3A_271 : vector<256x512xi32>
    %and3A_273 = arith.andi %eq3A_264, %eq3A_272 : vector<256x512xi1>
    %jit3A_274 = arith.constant 0x7F800000 : f32
    %broadcast_in_dim3A_275 = vector.broadcast %jit3A_274 : f32 to vector<256x512xf32>
    %select_n3A_276 = arith.select %and3A_273, %broadcast_in_dim3A_275, %select_n3A_237 : vector<256x512xi1>, vector<256x512xf32>
    %reduce_max3A_277 = arith.constant dense<0xFF800000> : vector<256xf32>
    %reduce_max3A_278 = vector.multi_reduction <maximumf>, %select_n3A_256, %reduce_max3A_277 [1] : vector<256x8xf32> to vector<256xf32>
    %broadcast_in_dim3A_279 = vector.shape_cast %reduce_max3A_278 : vector<256xf32> to vector<256x1xf32>
    %lt3A_280 = arith.cmpf olt, %broadcast_in_dim3A_262, %broadcast_in_dim3A_279 : vector<256x1xf32>
    %eq3A_281 = vector.broadcast %broadcast_in_dim3A_279 : vector<256x1xf32> to vector<256x8xf32>
    %eq3A_282 = arith.cmpf oeq, %select_n3A_256, %eq3A_281 : vector<256x8xf32>
    %jit3A_283 = arith.constant 8 : i32
    %broadcast_in_dim3A_284 = vector.broadcast %jit3A_283 : i32 to vector<256x8xi32>
    %select_n3A_285 = arith.select %eq3A_282, %iota3A_32, %broadcast_in_dim3A_284 : vector<256x8xi1>, vector<256x8xi32>
    %reduce_min3A_286 = arith.constant dense<2147483647> : vector<256xi32>
    %reduce_min3A_287 = vector.multi_reduction <minsi>, %select_n3A_285, %reduce_min3A_286 [1] : vector<256x8xi32> to vector<256xi32>
    %broadcast_in_dim3A_288 = vector.shape_cast %reduce_min3A_287 : vector<256xi32> to vector<256x1xi32>
    %eq3A_289 = vector.broadcast %broadcast_in_dim3A_288 : vector<256x1xi32> to vector<256x8xi32>
    %eq3A_290 = arith.cmpi eq, %iota3A_32, %eq3A_289 : vector<256x8xi32>
    %and3A_291 = vector.broadcast %lt3A_280 : vector<256x1xi1> to vector<256x8xi1>
    %and3A_292 = arith.andi %eq3A_290, %and3A_291 : vector<256x8xi1>
    %broadcast_in_dim3A_293 = vector.shape_cast %broadcast_in_dim3A_262 : vector<256x1xf32> to vector<256x1xf32>
    %broadcast_in_dim3A_294 = vector.broadcast %broadcast_in_dim3A_293 : vector<256x1xf32> to vector<256x8xf32>
    %select_n3A_295 = arith.select %and3A_292, %broadcast_in_dim3A_294, %select_n3A_256 : vector<256x8xi1>, vector<256x8xf32>
    %broadcast_in_dim3A_296 = vector.shape_cast %broadcast_in_dim3A_270 : vector<256x1xi32> to vector<256x1xi32>
    %broadcast_in_dim3A_297 = vector.broadcast %broadcast_in_dim3A_296 : vector<256x1xi32> to vector<256x8xi32>
    %select_n3A_298 = arith.select %and3A_292, %broadcast_in_dim3A_297, %select_n3A_259 : vector<256x8xi1>, vector<256x8xi32>
    %reduce_min3A_299 = arith.constant dense<0x7F800000> : vector<256xf32>
    %reduce_min3A_300 = vector.multi_reduction <minimumf>, %select_n3A_276, %reduce_min3A_299 [1] : vector<256x512xf32> to vector<256xf32>
    %broadcast_in_dim3A_301 = vector.shape_cast %reduce_min3A_300 : vector<256xf32> to vector<256x1xf32>
    %eq3A_302 = vector.broadcast %broadcast_in_dim3A_301 : vector<256x1xf32> to vector<256x512xf32>
    %eq3A_303 = arith.cmpf oeq, %select_n3A_276, %eq3A_302 : vector<256x512xf32>
    %jit3A_304 = arith.constant 1073741824 : i32
    %broadcast_in_dim3A_305 = vector.broadcast %jit3A_304 : i32 to vector<256x512xi32>
    %select_n3A_306 = arith.select %eq3A_303, %add3A_25, %broadcast_in_dim3A_305 : vector<256x512xi1>, vector<256x512xi32>
    %reduce_min3A_307 = arith.constant dense<2147483647> : vector<256xi32>
    %reduce_min3A_308 = vector.multi_reduction <minsi>, %select_n3A_306, %reduce_min3A_307 [1] : vector<256x512xi32> to vector<256xi32>
    %broadcast_in_dim3A_309 = vector.shape_cast %reduce_min3A_308 : vector<256xi32> to vector<256x1xi32>
    %reduce_max3A_310 = arith.constant dense<0xFF800000> : vector<256xf32>
    %reduce_max3A_311 = vector.multi_reduction <maximumf>, %select_n3A_295, %reduce_max3A_310 [1] : vector<256x8xf32> to vector<256xf32>
    %broadcast_in_dim3A_312 = vector.shape_cast %reduce_max3A_311 : vector<256xf32> to vector<256x1xf32>
    %lt3A_313 = arith.cmpf olt, %broadcast_in_dim3A_301, %broadcast_in_dim3A_312 : vector<256x1xf32>
    %eq3A_314 = vector.broadcast %broadcast_in_dim3A_312 : vector<256x1xf32> to vector<256x8xf32>
    %eq3A_315 = arith.cmpf oeq, %select_n3A_295, %eq3A_314 : vector<256x8xf32>
    %jit3A_316 = arith.constant 8 : i32
    %broadcast_in_dim3A_317 = vector.broadcast %jit3A_316 : i32 to vector<256x8xi32>
    %select_n3A_318 = arith.select %eq3A_315, %iota3A_32, %broadcast_in_dim3A_317 : vector<256x8xi1>, vector<256x8xi32>
    %reduce_min3A_319 = arith.constant dense<2147483647> : vector<256xi32>
    %reduce_min3A_320 = vector.multi_reduction <minsi>, %select_n3A_318, %reduce_min3A_319 [1] : vector<256x8xi32> to vector<256xi32>
    %broadcast_in_dim3A_321 = vector.shape_cast %reduce_min3A_320 : vector<256xi32> to vector<256x1xi32>
    %eq3A_322 = vector.broadcast %broadcast_in_dim3A_321 : vector<256x1xi32> to vector<256x8xi32>
    %eq3A_323 = arith.cmpi eq, %iota3A_32, %eq3A_322 : vector<256x8xi32>
    %and3A_324 = vector.broadcast %lt3A_313 : vector<256x1xi1> to vector<256x8xi1>
    %and3A_325 = arith.andi %eq3A_323, %and3A_324 : vector<256x8xi1>
    %broadcast_in_dim3A_326 = vector.shape_cast %broadcast_in_dim3A_301 : vector<256x1xf32> to vector<256x1xf32>
    %broadcast_in_dim3A_327 = vector.broadcast %broadcast_in_dim3A_326 : vector<256x1xf32> to vector<256x8xf32>
    %select_n3A_328 = arith.select %and3A_325, %broadcast_in_dim3A_327, %select_n3A_295 : vector<256x8xi1>, vector<256x8xf32>
    %broadcast_in_dim3A_329 = vector.shape_cast %broadcast_in_dim3A_309 : vector<256x1xi32> to vector<256x1xi32>
    %broadcast_in_dim3A_330 = vector.broadcast %broadcast_in_dim3A_329 : vector<256x1xi32> to vector<256x8xi32>
    %select_n3A_331 = arith.select %and3A_325, %broadcast_in_dim3A_330, %select_n3A_298 : vector<256x8xi1>, vector<256x8xi32>
    %swap3A = arith.constant 0 : index
    %swap3A_332 = arith.constant 0 : index
    %swap3A_333 = vector.load %arg6[%swap3A, %swap3A_332] : memref<256x8xf32, #tpu.memory_space<vmem>>, vector<256x8xf32>
    tpu.vector_store %arg6[%swap3A, %swap3A_332], %select_n3A_328 {strides = array<i32>} : memref<256x8xf32, #tpu.memory_space<vmem>>, vector<256x8xf32>,
    %swap3A_334 = arith.constant 0 : index
    %swap3A_335 = arith.constant 0 : index
    %swap3A_336 = vector.load %arg7[%swap3A_334, %swap3A_335] : memref<256x8xi32, #tpu.memory_space<vmem>>, vector<256x8xi32>
    tpu.vector_store %arg7[%swap3A_334, %swap3A_335], %select_n3A_331 {strides = array<i32>} : memref<256x8xi32, #tpu.memory_space<vmem>>, vector<256x8xi32>,
    %eq3A_337 = arith.constant 15 : i32
    %eq3A_338 = arith.cmpi eq, %arg1, %eq3A_337 : i32
    %convert_element_type3A_339 = arith.extui %eq3A_338 : i1 to i32
    %cond3A_340 = arith.constant 0 : i32
    %cond3A_341 = arith.cmpi ne, %convert_element_type3A_339, %cond3A_340 : i32
    scf.if %cond3A_341 {
      %swap3A_342 = arith.constant 0 : index
      %swap3A_343 = arith.constant 0 : index
      %swap3A_344 = vector.load %arg4[%swap3A_342, %swap3A_343] : memref<256x8xf32, #tpu.memory_space<vmem>>, vector<256x8xf32>
      tpu.vector_store %arg4[%swap3A_342, %swap3A_343], %select_n3A_328 {strides = array<i32>} : memref<256x8xf32, #tpu.memory_space<vmem>>, vector<256x8xf32>,
      %swap3A_345 = arith.constant 0 : index
      %swap3A_346 = arith.constant 0 : index
      %swap3A_347 = vector.load %arg5[%swap3A_345, %swap3A_346] : memref<256x8xi32, #tpu.memory_space<vmem>>, vector<256x8xi32>
      tpu.vector_store %arg5[%swap3A_345, %swap3A_346], %select_n3A_331 {strides = array<i32>} : memref<256x8xi32, #tpu.memory_space<vmem>>, vector<256x8xi32>,
    } else {
    }
    return
  }
  func.func @transform_0(%arg0: i32, %arg1: i32) -> (i32, i32) {
    %c0_i32 = arith.constant 0 : i32
    %c0_i32_0 = arith.constant 0 : i32
    return %arg0, %c0_i32 : i32, i32
  }
  func.func @transform_1(%arg0: i32, %arg1: i32) -> (i32, i32) {
    %c0_i32 = arith.constant 0 : i32
    %c0_i32_0 = arith.constant 0 : i32
    return %c0_i32, %arg1 : i32, i32
  }
  func.func @transform_2(%arg0: i32, %arg1: i32) -> (i32, i32) {
    %c0_i32 = arith.constant 0 : i32
    %c0_i32_0 = arith.constant 0 : i32
    return %arg0, %c0_i32 : i32, i32
  }
  func.func @transform_3(%arg0: i32, %arg1: i32) -> (i32, i32) {
    %c0_i32 = arith.constant 0 : i32
    %c0_i32_0 = arith.constant 0 : i32
    return %arg0, %c0_i32 : i32, i32
  }
}

module attributes {stable_mosaic.version = 14 : i64} {
  func.func @_loss_body(%arg0: i32, %arg1: memref<8192x32xf32, #tpu.memory_space<vmem>>, %arg2: memref<1x8192x32xf32, #tpu.memory_space<vmem>>, %arg3: memref<8192x8xf32, #tpu.memory_space<vmem>>, %arg4: memref<1x1xf32, #tpu.memory_space<vmem>>, %arg5: memref<1xf32, #tpu.memory_space<smem>>) attributes {dimension_semantics = [#tpu.dimension_semantics<arbitrary>], iteration_bounds = array<i64: 8>, scalar_prefetch = 0 : i64, scratch_operands = 1 : i64, tpu.core_type = #tpu.core_type<tc>, window_params = [{pipeline_mode = #tpu.pipeline_mode<synchronous>, transform_indices = @transform_0, window_bounds = array<i64: 8192, 32>}, {transform_indices = @transform_1, window_bounds = array<i64: 1, 8192, 32>}, {pipeline_mode = #tpu.pipeline_mode<synchronous>, transform_indices = @transform_2, window_bounds = array<i64: 8192, 8>}, {pipeline_mode = #tpu.pipeline_mode<synchronous>, transform_indices = @transform_3, window_bounds = array<i64: 1, 1>}]} {
    %get3A = arith.constant 0 : index
    %get3A_0 = arith.constant 0 : index
    %get3A_1 = vector.load %arg1[%get3A, %get3A_0] : memref<8192x32xf32, #tpu.memory_space<vmem>>, vector<8192x32xf32>
    %get3A_2 = arith.constant 0 : index
    %get3A_3 = arith.constant 0 : index
    %get3A_4 = arith.constant 0 : index
    %get3A_5 = vector.load %arg2[%get3A_2, %get3A_3, %get3A_4] : memref<1x8192x32xf32, #tpu.memory_space<vmem>>, vector<1x8192x32xf32>
    %get3A_6 = vector.shape_cast %get3A_5 : vector<1x8192x32xf32> to vector<8192x32xf32>
    %sub3A = arith.subf %get3A_1, %get3A_6 : vector<8192x32xf32>
    %add3A = arith.constant 9.99999997E-7 : f32
    %add3A_7 = vector.broadcast %add3A : f32 to vector<8192x32xf32>
    %add3A_8 = arith.addf %sub3A, %add3A_7 : vector<8192x32xf32>
    %mul3A = arith.mulf %add3A_8, %add3A_8 : vector<8192x32xf32>
    %iota3A = tpu.iota {dimensions = array<i32: 1>} : vector<8192x32xi32>
    %lt3A = arith.constant 16 : i32
    %lt3A_9 = vector.broadcast %lt3A : i32 to vector<8192x32xi32>
    %lt3A_10 = arith.cmpi slt, %iota3A, %lt3A_9 : vector<8192x32xi32>
    %jit3A = arith.constant 0.000000e+00 : f32
    %broadcast_in_dim3A = vector.broadcast %jit3A : f32 to vector<8192x32xf32>
    %select_n3A = arith.select %lt3A_10, %mul3A, %broadcast_in_dim3A : vector<8192x32xi1>, vector<8192x32xf32>
    %reduce_sum3A = arith.constant dense<0.000000e+00> : vector<8192xf32>
    %reduce_sum3A_11 = vector.multi_reduction <add>, %select_n3A, %reduce_sum3A [1] : vector<8192x32xf32> to vector<8192xf32>
    %broadcast_in_dim3A_12 = vector.shape_cast %reduce_sum3A_11 : vector<8192xf32> to vector<8192x1xf32>
    %ge3A = arith.constant 16 : i32
    %ge3A_13 = vector.broadcast %ge3A : i32 to vector<8192x32xi32>
    %ge3A_14 = arith.cmpi sge, %iota3A, %ge3A_13 : vector<8192x32xi32>
    %lt3A_15 = arith.constant 19 : i32
    %lt3A_16 = vector.broadcast %lt3A_15 : i32 to vector<8192x32xi32>
    %lt3A_17 = arith.cmpi slt, %iota3A, %lt3A_16 : vector<8192x32xi32>
    %and3A = arith.andi %ge3A_14, %lt3A_17 : vector<8192x32xi1>
    %jit3A_18 = arith.constant 0.000000e+00 : f32
    %broadcast_in_dim3A_19 = vector.broadcast %jit3A_18 : f32 to vector<8192x32xf32>
    %select_n3A_20 = arith.select %and3A, %mul3A, %broadcast_in_dim3A_19 : vector<8192x32xi1>, vector<8192x32xf32>
    %reduce_sum3A_21 = arith.constant dense<0.000000e+00> : vector<8192xf32>
    %reduce_sum3A_22 = vector.multi_reduction <add>, %select_n3A_20, %reduce_sum3A_21 [1] : vector<8192x32xf32> to vector<8192xf32>
    %broadcast_in_dim3A_23 = vector.shape_cast %reduce_sum3A_22 : vector<8192xf32> to vector<8192x1xf32>
    %get3A_24 = arith.constant 0 : index
    %get3A_25 = arith.constant 0 : index
    %get3A_26 = vector.load %arg3[%get3A_24, %get3A_25] : memref<8192x8xf32, #tpu.memory_space<vmem>>, vector<8192x8xf32>
    %iota3A_27 = tpu.iota {dimensions = array<i32: 1>} : vector<8192x8xi32>
    %eq3A = vector.broadcast %arg0 : i32 to vector<8192x8xi32>
    %eq3A_28 = arith.cmpi eq, %iota3A_27, %eq3A : vector<8192x8xi32>
    %jit3A_29 = arith.constant 0.000000e+00 : f32
    %broadcast_in_dim3A_30 = vector.broadcast %jit3A_29 : f32 to vector<8192x8xf32>
    %select_n3A_31 = arith.select %eq3A_28, %get3A_26, %broadcast_in_dim3A_30 : vector<8192x8xi1>, vector<8192x8xf32>
    %reduce_sum3A_32 = arith.constant dense<0.000000e+00> : vector<8192xf32>
    %reduce_sum3A_33 = vector.multi_reduction <add>, %select_n3A_31, %reduce_sum3A_32 [1] : vector<8192x8xf32> to vector<8192xf32>
    %broadcast_in_dim3A_34 = vector.shape_cast %reduce_sum3A_33 : vector<8192xf32> to vector<8192x1xf32>
    %mul3A_35 = arith.mulf %broadcast_in_dim3A_34, %broadcast_in_dim3A_34 : vector<8192x1xf32>
    %add3A_36 = arith.addf %mul3A_35, %broadcast_in_dim3A_23 : vector<8192x1xf32>
    %mul3A_37 = arith.constant -1.000000e-01 : f32
    %mul3A_38 = vector.broadcast %mul3A_37 : f32 to vector<8192x1xf32>
    %mul3A_39 = arith.mulf %mul3A_38, %add3A_36 : vector<8192x1xf32>
    %exp3A = math.exp %mul3A_39 : vector<8192x1xf32>
    %sqrt3A = math.sqrt %broadcast_in_dim3A_12 : vector<8192x1xf32>
    %mul3A_40 = arith.mulf %exp3A, %sqrt3A : vector<8192x1xf32>
    %reduce_sum3A_41 = vector.shape_cast %mul3A_40 : vector<8192x1xf32> to vector<1x8192x1xf32>
    %reduce_sum3A_42 = arith.constant dense<0.000000e+00> : vector<1xf32>
    %reduce_sum3A_43 = vector.multi_reduction <add>, %reduce_sum3A_41, %reduce_sum3A_42 [1, 2] : vector<1x8192x1xf32> to vector<1xf32>
    %reduce_sum3A_44 = vector.shape_cast %reduce_sum3A_43 : vector<1xf32> to vector<1x1x1xf32>
    %reduce_sum3A_45 = vector.extract %reduce_sum3A_44[0, 0, 0] : f32 from vector<1x1x1xf32>
    %eq3A_46 = arith.constant 0 : i32
    %eq3A_47 = arith.cmpi eq, %arg0, %eq3A_46 : i32
    %convert_element_type3A = arith.extui %eq3A_47 : i1 to i32
    %cond3A = arith.constant 0 : i32
    %cond3A_48 = arith.cmpi ne, %convert_element_type3A, %cond3A : i32
    scf.if %cond3A_48 {
      %swap3A_58 = arith.constant 0.000000e+00 : f32
      %swap3A_59 = arith.constant 0 : index
      %swap3A_60 = memref.load %arg5[%swap3A_59] : memref<1xf32, #tpu.memory_space<smem>>
      memref.store %swap3A_58, %arg5[%swap3A_59] : memref<1xf32, #tpu.memory_space<smem>>
    } else {
    }
    %get3A_49 = arith.constant 0 : index
    %get3A_50 = memref.load %arg5[%get3A_49] : memref<1xf32, #tpu.memory_space<smem>>
    %add3A_51 = arith.addf %get3A_50, %reduce_sum3A_45 : f32
    %swap3A = arith.constant 0 : index
    %swap3A_52 = memref.load %arg5[%swap3A] : memref<1xf32, #tpu.memory_space<smem>>
    memref.store %add3A_51, %arg5[%swap3A] : memref<1xf32, #tpu.memory_space<smem>>
    %eq3A_53 = arith.constant 7 : i32
    %eq3A_54 = arith.cmpi eq, %arg0, %eq3A_53 : i32
    %convert_element_type3A_55 = arith.extui %eq3A_54 : i1 to i32
    %cond3A_56 = arith.constant 0 : i32
    %cond3A_57 = arith.cmpi ne, %convert_element_type3A_55, %cond3A_56 : i32
    scf.if %cond3A_57 {
      %get3A_58 = arith.constant 0 : index
      %get3A_59 = memref.load %arg5[%get3A_58] : memref<1xf32, #tpu.memory_space<smem>>
      %div3A = arith.constant 6.553600e+04 : f32
      %div3A_60 = arith.divf %get3A_59, %div3A : f32
      %reshape3A = vector.broadcast %div3A_60 : f32 to vector<1x1xf32>
      %swap3A_61 = arith.constant 0 : index
      %swap3A_62 = arith.constant 0 : index
      %swap3A_63 = vector.load %arg4[%swap3A_61, %swap3A_62] : memref<1x1xf32, #tpu.memory_space<vmem>>, vector<1x1xf32>
      tpu.vector_store %arg4[%swap3A_61, %swap3A_62], %reshape3A {strides = array<i32>} : memref<1x1xf32, #tpu.memory_space<vmem>>, vector<1x1xf32>,
    } else {
    }
    return
  }
  func.func @transform_0(%arg0: i32) -> (i32, i32) {
    %c0_i32 = arith.constant 0 : i32
    %c0_i32_0 = arith.constant 0 : i32
    %c0_i32_1 = arith.constant 0 : i32
    return %c0_i32, %c0_i32_0 : i32, i32
  }
  func.func @transform_1(%arg0: i32) -> (i32, i32, i32) {
    %c0_i32 = arith.constant 0 : i32
    %c0_i32_0 = arith.constant 0 : i32
    %c0_i32_1 = arith.constant 0 : i32
    return %arg0, %c0_i32, %c0_i32_0 : i32, i32, i32
  }
  func.func @transform_2(%arg0: i32) -> (i32, i32) {
    %c0_i32 = arith.constant 0 : i32
    %c0_i32_0 = arith.constant 0 : i32
    %c0_i32_1 = arith.constant 0 : i32
    return %c0_i32, %c0_i32_0 : i32, i32
  }
  func.func @transform_3(%arg0: i32) -> (i32, i32) {
    %c0_i32 = arith.constant 0 : i32
    %c0_i32_0 = arith.constant 0 : i32
    %c0_i32_1 = arith.constant 0 : i32
    return %c0_i32, %c0_i32_0 : i32, i32
  }
}

</mosaic_0001>

<sc_bundles>
// kernel: kernel.6.cloned.1.call-start
scs
__scs_entry_jumppad:
0x0: {  	(pc) =	sbr.rel $0x88, $3  }
0x1: {  	(tag) =	ssettag $0x0;
	lr =	simm.s32 $0x1  }
0x2: {  	[smem:$0x3F9D] =	sst lr;
	_ =	strace $0xD0000000  }
0x3: {  	_ = 	snop  }
0x4: {  	_ = 	snop  }
0x5: {  	_ = 	snop  }
0x6: {  	_ = 	snop  }
0x7: {  	_ = 	snop  }
__scs_overlays_trampoline_lowered:
0x8: {  	[smem:$0x3FAC] =	sst s0  }
0x9: {  	[smem:$0x3FAD] =	sst s1  }
0xa: {  	[smem:$0x3FAE] =	sst s2  }
0xb: {  	[smem:$0x3FAF] =	sst s3  }
0xc: {  	[smem:$0x3FB0] =	sst s4  }
0xd: {  	[smem:$0x3FB1] =	sst s5  }
0xe: {  	[smem:$0x3FB2] =	sst s6  }
0xf: {  	[smem:$0x3FB3] =	sst s7  }
0x10: {  	[smem:$0x3FB4] =	sst s8  }
0x11: {  	[smem:$0x3FB5] =	sst s9;
	s0 =	simm.s32 @!p0 $0x0  }
0x12: {  	s1 =	sld [smem:$0x3F9B];
	s0 =	simm.s32 @p0 $0x1  }
0x13: {  	[smem:$0x3FB6] =	sst s0;
	s0 =	simm.s32 @!p1 $0x0  }
0x14: {  	s2 =	sld [smem:$0x3F9A];
	s0 =	simm.s32 @p1 $0x1  }
0x15: {  	[smem:$0x3FB7] =	sst s0;
	s0 =	simm.s32 @!p2 $0x0  }
0x16: {  	s3 =	sld [smem:$0x3FDB];
	s0 =	simm.s32 @p2 $0x1  }
0x17: {  	s4 =	simm.s32 $0x1BF5;
	[smem:$0x3FB9] =	sst s0  }
0x18: {  	s0 =	sld [smem:$0x3F9C];
	_ =	swait.ge [sflag:s4], $0x0  }
0x19: {  	s7 =	sld [smem:$0x3F9D]  }
0x1a: {  	s8 =	sadd.s32 $0xFFFFE003, lr  }
0x1b: {  	s9 =	sadd.s32 $0xFFFFFEF7, lr;
	s5 =	simm.s32 $0xFFFFFFFF;
	p2 =	slt.u32 s8, $0xFFFFF086  }
0x1c: {  	p1 =	slt.u32 s9, $0xF7A;
	s5 =	simm.s32 @!p2 $0x0  }
0x1d: {  	s5 =	simm.s32 @p1 $0x1;
	p0 =	seq.s32 s7, s2  }
0x1e: {  	s7 =	smul.u32 @!p0 $0xF7A, s2;
	p2 =	seq.s32 @!p0 s5, $0x0  }
0x1f: {  	s9 =	smul.u32 $0xF7A, s1;
	s8 =	simm.s32 @!p0 $0x1BF5;
	p2 =	por !p2, p0  }
0x20: {  	[sflag:s8] =	ssyncset.s32 @!p0 $0xFFFFF086;
	s6 =	sadd.s32 @!p0 s3, s7;
	s7 =	simm.s32 @!p0 $0x108  }
0x21: {  	s3 =	sadd.s32 s3, s9;
	s6 =	sadd.s32 @!p0 $0x88, s6;
	s7 =	simm.s32 @p2 $0x1082  }
0x22: {  	[simem:s7], [sflag:s8] =	dma.local @!p0 [hbm:s6], $0xF7A  }
0x23: {  	s9 =	sor.u32 $0xD0000000, s2;
	s6 =	simm.s32 $0x108;
	_ =	swait.ge @!p0 [sflag:s8], $0x0  }
0x24: {  	s3 =	sadd.s32 $0x88, s3;
	s6 =	simm.s32 @!p1 $0x1082;
	[sflag:s4] =	ssyncset.s32 $0xFFFFF086  }
0x25: {  	[simem:s6], [sflag:s4] =	dma.local [hbm:s3], $0xF7A  }
0x26: {  	[smem:$0x3F9D] =	sst s1;
	(tag) =	ssettag s2;
	_ =	strace s9  }
0x27: {  	s1 =	sld [smem:$0x3FAD]  }
0x28: {  	s2 =	sld [smem:$0x3FAE]  }
0x29: {  	s4 =	sld [smem:$0x3FB0]  }
0x2a: {  	p0 =	seq.s32 s5, $0x0;
	s5 =	sld [smem:$0x3FB1]  }
0x2b: {  	s6 =	sld [smem:$0x3FB2]  }
0x2c: {  	s7 =	sld [smem:$0x3FB3]  }
0x2d: {  	s3 =	simm.s32 $0x108;
	s8 =	sld [smem:$0x3FB4]  }
0x2e: {  	s3 =	simm.s32 @!p0 $0x1082;
	s9 =	sld [smem:$0x3FB5]  }
0x2f: {  	lr =	sadd.s32 s0, s3;
	s0 =	sld [smem:$0x3FAC]  }
0x30: {  	s3 =	sld [smem:$0x3FAF]  }
0x31: {  	[smem:$0x3FB8] =	sst s10  }
0x32: {  	s10 =	sld [smem:$0x3FB6];
	_ =	sdelay $0x3  }
0x33: {  	p0 =	seq.s32 s10, $0x1;
	s10 =	sld [smem:$0x3FB8];
	_ =	sdelay $0x3  }
0x34: {  	[smem:$0x3FB8] =	sst s10  }
0x35: {  	s10 =	sld [smem:$0x3FB7];
	_ =	sdelay $0x3  }
0x36: {  	p1 =	seq.s32 s10, $0x1;
	s10 =	sld [smem:$0x3FB8];
	_ =	sdelay $0x3  }
0x37: {  	[smem:$0x3FB8] =	sst s10  }
0x38: {  	s10 =	sld [smem:$0x3FB9]  }
0x39: {  	_ = 	snop;
	(pc) =	sbr.ind lr, $3  }
0x3a: {  	_ = 	snop  }
0x3b: {  	_ = 	snop  }
0x3c: {  	p2 =	seq.s32 s10, $0x1;
	s10 =	sld [smem:$0x3FB8]  }
0x3d: {  	_ =	shalt  }
0x3e: {  	_ =	shalt  }
0x3f: {  	_ =	shalt  }
0x40: {  	_ =	shalt  }
0x41: {  	_ =	shalt  }
0x42: {  	_ =	shalt  }
0x43: {  	_ =	shalt  }
0x44: {  	_ =	shalt  }
0x45: {  	_ =	shalt  }
0x46: {  	_ =	shalt  }
0x47: {  	_ =	shalt  }
0x48: {  	_ =	shalt  }
0x49: {  	_ =	shalt  }
0x4a: {  	_ =	shalt  }
0x4b: {  	_ =	shalt  }
0x4c: {  	_ =	shalt  }
0x4d: {  	_ =	shalt  }
0x4e: {  	_ =	shalt  }
0x4f: {  	_ =	shalt  }
0x50: {  	_ =	shalt  }
0x51: {  	_ =	shalt  }
0x52: {  	_ =	shalt  }
0x53: {  	_ =	shalt  }
0x54: {  	_ =	shalt  }
0x55: {  	_ =	shalt  }
0x56: {  	_ =	shalt  }
0x57: {  	_ =	shalt  }
0x58: {  	_ =	shalt  }
0x59: {  	_ =	shalt  }
0x5a: {  	_ =	shalt  }
0x5b: {  	_ =	shalt  }
0x5c: {  	_ =	shalt  }
0x5d: {  	_ =	shalt  }
0x5e: {  	_ =	shalt  }
0x5f: {  	_ =	shalt  }
0x60: {  	_ =	shalt  }
0x61: {  	_ =	shalt  }
0x62: {  	_ =	shalt  }
0x63: {  	_ =	shalt  }
0x64: {  	_ =	shalt  }
0x65: {  	_ =	shalt  }
0x66: {  	_ =	shalt  }
0x67: {  	_ =	shalt  }
0x68: {  	_ =	shalt  }
0x69: {  	_ =	shalt  }
0x6a: {  	_ =	shalt  }
0x6b: {  	_ =	shalt  }
0x6c: {  	_ =	shalt  }
0x6d: {  	_ =	shalt  }
0x6e: {  	_ =	shalt  }
0x6f: {  	_ =	shalt  }
0x70: {  	_ =	shalt  }
0x71: {  	_ =	shalt  }
0x72: {  	_ =	shalt  }
0x73: {  	_ =	shalt  }
0x74: {  	_ =	shalt  }
0x75: {  	_ =	shalt  }
0x76: {  	_ =	shalt  }
0x77: {  	_ =	shalt  }
0x78: {  	_ =	shalt  }
0x79: {  	_ =	shalt  }
0x7a: {  	_ =	shalt  }
0x7b: {  	_ =	shalt  }
0x7c: {  	_ =	shalt  }
0x7d: {  	_ =	shalt  }
0x7e: {  	_ =	shalt  }
0x7f: {  	_ =	shalt  }
0x80: {  	_ =	shalt  }
0x81: {  	_ =	shalt  }
0x82: {  	_ =	shalt  }
0x83: {  	_ =	shalt  }
0x84: {  	_ =	shalt  }
0x85: {  	_ =	shalt  }
0x86: {  	_ =	shalt  }
0x87: {  	_ =	shalt  }
.Lfunc_end0:
.L_simem_size_0:
called_computation_lowered:
.L_overlay_start_0:
0x88: {  	s2 =	sld [smem:$0x3FD9]  }
0x89: {  	s3 =	sld [smem:$0x3FFE];
	_ =	sdelay $0x1  }
0x8a: {  	s1 =	srdreg.scid  }
0x8b: {  	s0 =	sand.u32 $0x1, s1  }
0x8c: {  	s16 =	sshll.u32 s0, $0xA;
	s2 =	sadd.s32 s3, s2  }
0x8d: {  	s2 =	sadd.s32 s2, s16  }
0x8e: {  	[smem:$0x3FC4] =	sst s2  }
0x8f: {  	_ = 	snop  }
0x90: {  	(tm) =	ssettm $0x1  }
0x91: {  	s17 =	sld [smem:$0x3FFB];
	_ =	sdelay $0x3  }
0x92: {  	_ =	strace s17  }
0x93: {  	s2 =	sld [smem:$0x3FFC];
	_ =	sdelay $0x3  }
0x94: {  	_ =	strace s2  }
0x95: {  	s2 =	sld [smem:$0x3FFD];
	_ =	sdelay $0x3  }
0x96: {  	_ =	strace s2  }
0x97: {  	_ =	strace $0x8FFFFFFF  }
0x98: {  	s18 =	sld [smem:$0x3FDB];
	_ =	sdelay $0x1  }
0x99: {  	s19 =	simm.s32 $_scs_section_size  }
0x9a: {  	s4 =	simm.s32 $_size__tile_overlayer_lowered;
	s5 =	simm.s32 $_tile_overlayer_lowered  }
0x9b: {  	s22 =	simm.s32 $0x1BFF;
	s21 =	sshll.u32 s5, $0x1;
	s2 =	sadd.s32 s19, s18  }
0x9c: {  	s6 =	simm.s32 $0x0;
	s20 =	sshll.u32 s4, $0x1;
	s4 =	sadd.s32 s21, s2  }
0x9d: {  	[timem:s6], [sflag:s22] =	dma.local [hbm:s4], s20  }
0x9e: {  	_ =	swait.ge [sflag:s22], s20  }
0x9f: {  	s3 =	ssub.s32 $0x0, s20;
	[sflag:s22] =	ssyncset.done $0x0  }
0xa0: {  	[sflag:s22] =	ssyncadd.s32 s3;
	_ =	sdelay $0x1  }
0xa1: {  	s23 =	simm.s32 $0x1B8B  }
0xa2: {  	_ =	swait.ge [sflag:s23], $0x1  }
0xa3: {  	[sflag:s23] =	ssyncset.done $0x0  }
0xa4: {  	s25 =	simm.s32 $0x1B8E;
	s24 =	sld [smem:$0x3FFE];
	[sflag:s23] =	ssyncadd.s32 $0xFFFFFFFF  }
0xa5: {  	s26 =	simm.s32 $execute0_lowered;
	[smem:$0x3FD2] =	sst s25  }
0xa6: {  	s4 =	sshll.u32 s26, $0x1;
	_ =	strace $0x80000046;
	[dreg:$0x1] =	wrdreg $0xFFFFFFFF  }
0xa7: {  	s28 =	simm.s32 $_size_execute0_lowered;
	s2 =	sadd.s32 s2, s4;
	[dreg:$0x0] =	wrdreg $0x0  }
0xa8: {  	s4 =	sshll.u32 s28, $0x1;
	[dreg:$0x2] =	wrdreg s2  }
0xa9: {  	[dreg:$0x3] =	wrdreg s4  }
0xaa: {  	[dreg:$0x4] =	wrdreg $0xC0  }
0xab: {  	_ =	task [dreg:s6], $0x5FFFF  }
0xac: {  	[dreg:$0x1] =	wrdreg $0xFFFFFFFF  }
0xad: {  	[dreg:$0x0] =	wrdreg $0x60  }
0xae: {  	[dreg:$0x2] =	wrdreg s24  }
0xaf: {  	[dreg:$0x3] =	wrdreg $0x9  }
0xb0: {  	_ =	task.clear_ibuf [dreg:s6], $0x4FFFF;
	_ =	strace $0x90000046  }
0xb1: {  	s29 =	simm.s32 $0x9;
	_ =	strace $0x80000048  }
0xb2: {  	_ =	swait.ge [sflag:s29], $0x1  }
0xb3: {  	[sflag:s29] =	ssyncadd.s32 $0xFFFFFFFF  }
0xb4: {  	_ =	strace $0x90000048  }
0xb5: {  	_ =	sfence  }
0xb6: {  	s30 =	sld [smem:$0x0];
	_ =	sdelay $0x2  }
0xb7: {  	s31 =	sshll.u32 s1, $0xD;
	s1 =	sshrl.u32 s1, $0x2  }
0xb8: {  	s3 =	sand.u32 $0x4000, s31;
	s1 =	sadd.s32 s1, s30  }
0xb9: {  	s0 =	sor.u32 s3, s0;
	s1 =	sshll.u32 s1, $0x11  }
0xba: {  	s0 =	sor.u32 s1, s0  }
0xbb: {  	s0 =	sadd.s32 $0x8F2B, s0  }
0xbc: {  	[sflag:s0] =	ssyncadd.remote.s32 $0x1  }
0xbd: {  	_ =	sfence.sel $0xFFFF  }
0xbe: {  	[dreg:$0x0] =	wrdreg $0xFFFFFFFF;
	(pc) =	sbr.abs _section_cstart, $3  }
0xbf: {  	[dreg:$0x1] =	wrdreg $0xFFFFFFFF  }
0xc0: {  	_ =	task.clear_ibuf [dreg:s6], $0x2FFFF;
	_ =	strace $0x9FFFFFFF  }
0xc1: {  	(tm) =	ssettm $0x7FFFFFFF  }
tec
execute0_lowered:
.L_overlay_start_1:
0x0: {  	(tag) =	ssettag $0x1  }
0x1: {  	s1 =	srdreg.scid  }
0x2: {  	s0 =	stileid.u32;
	s10 =	sand.u32 $0x1, s1  }
0x3: {  	s8 =	rddreg [dreg:$0x0];
	s3 =	sshll.u32 s0, $0x9;
	s4 =	sshll.u32 s10, $0x8  }
0x4: {  	s2 =	simm.s32 $0x0;
	s1 =	rddreg [dreg:$0x1];
	s9 =	sor.u32 s4, s3  }
0x5: {  	[smem:$0x7FF] =	sst s2;
	s11 =	sadd.s32 $0x400, s8;
	s3 =	sshrl.u32 s9, $0x3  }
0x6: {  	_ =	strace $0x80000047;
	s4 =	sadd.s32 s11, s3;
	s3 =	simm.s32 $0x2  }
0x7: {  	[tilespmem:s2], [sflag:$0x2] =	stream.linear.gather [hbm4b:s4+s2], $0x80, $0x38;
	[tilespmem:$0x1880] =	vst v63  }
0x8: {  	_ =	swait.ge [sflag:s3], $0x80  }
0x9: {  	s6 =	simm.s32 $0x80;
	[sflag:s3] =	ssyncset.done $0x0  }
0xa: {  	s7 =	simm.s32 $0x1;
	s5 =	sadd.s32 $0x800, s8;
	[sflag:s3] =	ssyncadd.s32 $0xFFFFFF80  }
0xb: {  	[tilespmem:s6], [sflag:$0x1] =	stream.indirect.gather [hbm4b:s5+s6], $0x30, s2, s6, $0xb8;
	[tilespmem:$0x1880] =	vst v63  }
0xc: {  	s12 =	smul.u32 $0x6, s9;
	_ =	swait.ge [sflag:s7], $0x1800  }
0xd: {  	s13 =	sadd.s32 $0x18800, s8;
	[sflag:s7] =	ssyncset.done $0x0  }
0xe: {  	s8 =	sadd.s32 s13, s12;
	[sflag:s7] =	ssyncadd.s32 $0xFFFFE800  }
0xf: {  	[hbm4b:s8+s2] =	stream.linear.scatter [tilespmem:s6], [sflag:$0x2], $0x1800, $0x38;
	[tilespmem:$0x1880] =	vst v63  }
0x10: {  	s30 =	sor.u32 $0x80, s9;
	_ =	swait.ge [sflag:s3], $0x1800  }
0x11: {  	s9 =	sshrl.u32 s30, $0x3;
	[sflag:s3] =	ssyncset.done $0x0  }
0x12: {  	s10 =	ssub.s32 $0x2, s10;
	s9 =	sadd.s32 s11, s9;
	[sflag:s3] =	ssyncadd.s32 $0xFFFFE800  }
0x13: {  	[tilespmem:s2], [sflag:$0x2] =	stream.linear.gather [hbm4b:s9+s2], $0x80, $0x38;
	[tilespmem:$0x1880] =	vst v63  }
0x14: {  	s31 =	sshrl.u32 s10, $0x1;
	_ =	swait.ge [sflag:s3], $0x80  }
0x15: {  	s11 =	ssub.s32 s10, s31;
	[sflag:s3] =	ssyncset.done $0x0  }
0x16: {  	s11 =	smax.u32 s11, $0x1;
	[sflag:s3] =	ssyncadd.s32 $0xFFFFFF80  }
0x17: {  	[tilespmem:s6], [sflag:$0x1] =	stream.indirect.gather [hbm4b:s5+s6], $0x30, s2, s6, $0xb8;
	[tilespmem:$0x1880] =	vst v63  }
0x18: {  	s12 =	smul.u32 $0x6, s30;
	p0 =	sne.s32 s11, $0x1;
	_ =	swait.ge [sflag:s7], $0x1800  }
.Ltmp0:
0x19: {  	[sflag:s7] =	ssyncset.done $0x0;
	(pc) =	sbr.rel @!p0 .LBB2_2-.Ltmp0, $4  }
0x1a: {  	s10 =	sadd.s32 s13, s12;
	[sflag:s7] =	ssyncadd.s32 $0xFFFFE800  }
0x1b: {  	[hbm4b:s10+s2] =	stream.linear.scatter [tilespmem:s6], [sflag:$0x2], $0x1800, $0x38;
	[tilespmem:$0x1880] =	vst v63  }
0x1c: {  	_ =	swait.ge [sflag:s3], $0x1800  }
0x1d: {  	s11 =	sadd.s32 $0xFFFFFFFF, s11;
	[sflag:s3] =	ssyncset.done $0x0  }
.LBB2_1:
0x1e: {  	p0 =	sne.s32 s11, $0x1;
	s11 =	sadd.s32 $0xFFFFFFFF, s11;
	[sflag:s3] =	ssyncadd.s32 $0xFFFFE800  }
0x1f: {  	[tilespmem:s2], [sflag:$0x2] =	stream.linear.gather [hbm4b:s4+s2], $0x80, $0x38;
	[tilespmem:$0x1880] =	vst v63  }
0x20: {  	_ =	swait.ge [sflag:s3], $0x80  }
0x21: {  	[sflag:s3] =	ssyncset.done $0x0  }
0x22: {  	[sflag:s3] =	ssyncadd.s32 $0xFFFFFF80  }
0x23: {  	[tilespmem:s6], [sflag:$0x1] =	stream.indirect.gather [hbm4b:s5+s6], $0x30, s2, s6, $0xb8;
	[tilespmem:$0x1880] =	vst v63  }
0x24: {  	_ =	swait.ge [sflag:s7], $0x1800  }
0x25: {  	[sflag:s7] =	ssyncset.done $0x0  }
0x26: {  	[sflag:s7] =	ssyncadd.s32 $0xFFFFE800  }
0x27: {  	[hbm4b:s8+s2] =	stream.linear.scatter [tilespmem:s6], [sflag:$0x2], $0x1800, $0x38;
	[tilespmem:$0x1880] =	vst v63  }
0x28: {  	_ =	swait.ge [sflag:s3], $0x1800  }
0x29: {  	[sflag:s3] =	ssyncset.done $0x0  }
0x2a: {  	[sflag:s3] =	ssyncadd.s32 $0xFFFFE800  }
0x2b: {  	[tilespmem:s2], [sflag:$0x2] =	stream.linear.gather [hbm4b:s9+s2], $0x80, $0x38;
	[tilespmem:$0x1880] =	vst v63  }
0x2c: {  	_ =	swait.ge [sflag:s3], $0x80  }
0x2d: {  	[sflag:s3] =	ssyncset.done $0x0  }
0x2e: {  	[sflag:s3] =	ssyncadd.s32 $0xFFFFFF80  }
0x2f: {  	[tilespmem:s6], [sflag:$0x1] =	stream.indirect.gather [hbm4b:s5+s6], $0x30, s2, s6, $0xb8;
	[tilespmem:$0x1880] =	vst v63  }
0x30: {  	_ =	swait.ge [sflag:s7], $0x1800  }
.Ltmp1:
0x31: {  	[sflag:s7] =	ssyncset.done $0x0;
	(pc) =	sbr.rel @p0 .LBB2_1-.Ltmp1, $4  }
0x32: {  	[sflag:s7] =	ssyncadd.s32 $0xFFFFE800  }
0x33: {  	[hbm4b:s10+s2] =	stream.linear.scatter [tilespmem:s6], [sflag:$0x2], $0x1800, $0x38;
	[tilespmem:$0x1880] =	vst v63  }
0x34: {  	_ =	swait.ge [sflag:s3], $0x1800  }
0x35: {  	[sflag:s3] =	ssyncset.done $0x0  }
.LBB2_2:
0x36: {  	[sflag:s3] =	ssyncadd.s32 $0xFFFFE800  }
0x37: {  	_ =	sfence.sel $0x180000  }
0x38: {  	[bflag:$0x0] =	sbarrier.arrive $0xFFFF  }
0x39: {  	p0 =	sne.s32 s0, $0x0;
	_ =	strace $0x90000047  }
0x3a: {  	s0 =	sadd.s32 @!p0 $0x100000, s1;
	[bflag:$0x2] =	sbarrier.arrive $0xFFFF  }
0x3b: {  	[sflag:s0] =	ssyncadd.tile.s32 @!p0 $0x1;
	_ =	shalt  }
.Lfunc_end2:
_tile_overlayer_lowered:
.L_overlay_start_2:
0x3c: {  	(tag) =	ssettag $0x2  }
0x3d: {  	s0 =	rddreg [dreg:$0x0];
	s2 =	stileid.u32  }
0x3e: {  	s1 =	rddreg [dreg:$0x1];
	p0 =	sne.s32 s2, $0x0  }
0x3f: {  	s3 =	rddreg [dreg:$0x2];
	[bflag:$0x3] =	sbarrier.arrive $0xFFFF;
	s2 =	simm.s32 @!p0 $0x1C02  }
0x40: {  	[timem:s3], [sflag:s2] =	dma.local @!p0 [hbm:s0], s1  }
0x41: {  	s0 =	simm.s32 @!p0 $0x2  }
0x42: {  	_ =	swait.ge @!p0 [sflag:s0], s1  }
0x43: {  	s1 =	ssub.s32 @!p0 $0x0, s1;
	[sflag:s0] =	ssyncset.done @!p0 $0x0  }
0x44: {  	[sflag:s0] =	ssyncadd.s32 @!p0 s1  }
0x45: {  	[bflag:$0x3] =	sbarrier.arrive $0xFFFF  }
0x46: {  	_ =	shalt  }

// kernel: kernel.9.cloned.1.call-start
scs
__scs_entry_jumppad:
0x0: {  	(pc) =	sbr.rel $0x88, $3  }
0x1: {  	(tag) =	ssettag $0x0;
	lr =	simm.s32 $0x1  }
0x2: {  	[smem:$0x3F9D] =	sst lr;
	_ =	strace $0xD0000000  }
0x3: {  	_ = 	snop  }
0x4: {  	_ = 	snop  }
0x5: {  	_ = 	snop  }
0x6: {  	_ = 	snop  }
0x7: {  	_ = 	snop  }
__scs_overlays_trampoline_lowered:
0x8: {  	[smem:$0x3FAC] =	sst s0  }
0x9: {  	[smem:$0x3FAD] =	sst s1  }
0xa: {  	[smem:$0x3FAE] =	sst s2  }
0xb: {  	[smem:$0x3FAF] =	sst s3  }
0xc: {  	[smem:$0x3FB0] =	sst s4  }
0xd: {  	[smem:$0x3FB1] =	sst s5  }
0xe: {  	[smem:$0x3FB2] =	sst s6  }
0xf: {  	[smem:$0x3FB3] =	sst s7  }
0x10: {  	[smem:$0x3FB4] =	sst s8  }
0x11: {  	[smem:$0x3FB5] =	sst s9;
	s0 =	simm.s32 @!p0 $0x0  }
0x12: {  	s1 =	sld [smem:$0x3F9B];
	s0 =	simm.s32 @p0 $0x1  }
0x13: {  	[smem:$0x3FB6] =	sst s0;
	s0 =	simm.s32 @!p1 $0x0  }
0x14: {  	s2 =	sld [smem:$0x3F9A];
	s0 =	simm.s32 @p1 $0x1  }
0x15: {  	[smem:$0x3FB7] =	sst s0;
	s0 =	simm.s32 @!p2 $0x0  }
0x16: {  	s3 =	sld [smem:$0x3FDB];
	s0 =	simm.s32 @p2 $0x1  }
0x17: {  	s4 =	simm.s32 $0x1BF5;
	[smem:$0x3FB9] =	sst s0  }
0x18: {  	s0 =	sld [smem:$0x3F9C];
	_ =	swait.ge [sflag:s4], $0x0  }
0x19: {  	s7 =	sld [smem:$0x3F9D]  }
0x1a: {  	s8 =	sadd.s32 $0xFFFFE003, lr  }
0x1b: {  	s9 =	sadd.s32 $0xFFFFFEF7, lr;
	s5 =	simm.s32 $0xFFFFFFFF;
	p2 =	slt.u32 s8, $0xFFFFF086  }
0x1c: {  	p1 =	slt.u32 s9, $0xF7A;
	s5 =	simm.s32 @!p2 $0x0  }
0x1d: {  	s5 =	simm.s32 @p1 $0x1;
	p0 =	seq.s32 s7, s2  }
0x1e: {  	s7 =	smul.u32 @!p0 $0xF7A, s2;
	p2 =	seq.s32 @!p0 s5, $0x0  }
0x1f: {  	s9 =	smul.u32 $0xF7A, s1;
	s8 =	simm.s32 @!p0 $0x1BF5;
	p2 =	por !p2, p0  }
0x20: {  	[sflag:s8] =	ssyncset.s32 @!p0 $0xFFFFF086;
	s6 =	sadd.s32 @!p0 s3, s7;
	s7 =	simm.s32 @!p0 $0x108  }
0x21: {  	s3 =	sadd.s32 s3, s9;
	s6 =	sadd.s32 @!p0 $0x88, s6;
	s7 =	simm.s32 @p2 $0x1082  }
0x22: {  	[simem:s7], [sflag:s8] =	dma.local @!p0 [hbm:s6], $0xF7A  }
0x23: {  	s9 =	sor.u32 $0xD0000000, s2;
	s6 =	simm.s32 $0x108;
	_ =	swait.ge @!p0 [sflag:s8], $0x0  }
0x24: {  	s3 =	sadd.s32 $0x88, s3;
	s6 =	simm.s32 @!p1 $0x1082;
	[sflag:s4] =	ssyncset.s32 $0xFFFFF086  }
0x25: {  	[simem:s6], [sflag:s4] =	dma.local [hbm:s3], $0xF7A  }
0x26: {  	[smem:$0x3F9D] =	sst s1;
	(tag) =	ssettag s2;
	_ =	strace s9  }
0x27: {  	s1 =	sld [smem:$0x3FAD]  }
0x28: {  	s2 =	sld [smem:$0x3FAE]  }
0x29: {  	s4 =	sld [smem:$0x3FB0]  }
0x2a: {  	p0 =	seq.s32 s5, $0x0;
	s5 =	sld [smem:$0x3FB1]  }
0x2b: {  	s6 =	sld [smem:$0x3FB2]  }
0x2c: {  	s7 =	sld [smem:$0x3FB3]  }
0x2d: {  	s3 =	simm.s32 $0x108;
	s8 =	sld [smem:$0x3FB4]  }
0x2e: {  	s3 =	simm.s32 @!p0 $0x1082;
	s9 =	sld [smem:$0x3FB5]  }
0x2f: {  	lr =	sadd.s32 s0, s3;
	s0 =	sld [smem:$0x3FAC]  }
0x30: {  	s3 =	sld [smem:$0x3FAF]  }
0x31: {  	[smem:$0x3FB8] =	sst s10  }
0x32: {  	s10 =	sld [smem:$0x3FB6];
	_ =	sdelay $0x3  }
0x33: {  	p0 =	seq.s32 s10, $0x1;
	s10 =	sld [smem:$0x3FB8];
	_ =	sdelay $0x3  }
0x34: {  	[smem:$0x3FB8] =	sst s10  }
0x35: {  	s10 =	sld [smem:$0x3FB7];
	_ =	sdelay $0x3  }
0x36: {  	p1 =	seq.s32 s10, $0x1;
	s10 =	sld [smem:$0x3FB8];
	_ =	sdelay $0x3  }
0x37: {  	[smem:$0x3FB8] =	sst s10  }
0x38: {  	s10 =	sld [smem:$0x3FB9]  }
0x39: {  	_ = 	snop;
	(pc) =	sbr.ind lr, $3  }
0x3a: {  	_ = 	snop  }
0x3b: {  	_ = 	snop  }
0x3c: {  	p2 =	seq.s32 s10, $0x1;
	s10 =	sld [smem:$0x3FB8]  }
0x3d: {  	_ =	shalt  }
0x3e: {  	_ =	shalt  }
0x3f: {  	_ =	shalt  }
0x40: {  	_ =	shalt  }
0x41: {  	_ =	shalt  }
0x42: {  	_ =	shalt  }
0x43: {  	_ =	shalt  }
0x44: {  	_ =	shalt  }
0x45: {  	_ =	shalt  }
0x46: {  	_ =	shalt  }
0x47: {  	_ =	shalt  }
0x48: {  	_ =	shalt  }
0x49: {  	_ =	shalt  }
0x4a: {  	_ =	shalt  }
0x4b: {  	_ =	shalt  }
0x4c: {  	_ =	shalt  }
0x4d: {  	_ =	shalt  }
0x4e: {  	_ =	shalt  }
0x4f: {  	_ =	shalt  }
0x50: {  	_ =	shalt  }
0x51: {  	_ =	shalt  }
0x52: {  	_ =	shalt  }
0x53: {  	_ =	shalt  }
0x54: {  	_ =	shalt  }
0x55: {  	_ =	shalt  }
0x56: {  	_ =	shalt  }
0x57: {  	_ =	shalt  }
0x58: {  	_ =	shalt  }
0x59: {  	_ =	shalt  }
0x5a: {  	_ =	shalt  }
0x5b: {  	_ =	shalt  }
0x5c: {  	_ =	shalt  }
0x5d: {  	_ =	shalt  }
0x5e: {  	_ =	shalt  }
0x5f: {  	_ =	shalt  }
0x60: {  	_ =	shalt  }
0x61: {  	_ =	shalt  }
0x62: {  	_ =	shalt  }
0x63: {  	_ =	shalt  }
0x64: {  	_ =	shalt  }
0x65: {  	_ =	shalt  }
0x66: {  	_ =	shalt  }
0x67: {  	_ =	shalt  }
0x68: {  	_ =	shalt  }
0x69: {  	_ =	shalt  }
0x6a: {  	_ =	shalt  }
0x6b: {  	_ =	shalt  }
0x6c: {  	_ =	shalt  }
0x6d: {  	_ =	shalt  }
0x6e: {  	_ =	shalt  }
0x6f: {  	_ =	shalt  }
0x70: {  	_ =	shalt  }
0x71: {  	_ =	shalt  }
0x72: {  	_ =	shalt  }
0x73: {  	_ =	shalt  }
0x74: {  	_ =	shalt  }
0x75: {  	_ =	shalt  }
0x76: {  	_ =	shalt  }
0x77: {  	_ =	shalt  }
0x78: {  	_ =	shalt  }
0x79: {  	_ =	shalt  }
0x7a: {  	_ =	shalt  }
0x7b: {  	_ =	shalt  }
0x7c: {  	_ =	shalt  }
0x7d: {  	_ =	shalt  }
0x7e: {  	_ =	shalt  }
0x7f: {  	_ =	shalt  }
0x80: {  	_ =	shalt  }
0x81: {  	_ =	shalt  }
0x82: {  	_ =	shalt  }
0x83: {  	_ =	shalt  }
0x84: {  	_ =	shalt  }
0x85: {  	_ =	shalt  }
0x86: {  	_ =	shalt  }
0x87: {  	_ =	shalt  }
.Lfunc_end0:
.L_simem_size_0:
called_computation.1_lowered:
.L_overlay_start_0:
0x88: {  	s2 =	sld [smem:$0x3FD9]  }
0x89: {  	s3 =	sld [smem:$0x3FFE];
	_ =	sdelay $0x1  }
0x8a: {  	s1 =	srdreg.scid  }
0x8b: {  	s0 =	sand.u32 $0x1, s1  }
0x8c: {  	s16 =	sshll.u32 s0, $0xA;
	s2 =	sadd.s32 s3, s2  }
0x8d: {  	s2 =	sadd.s32 s2, s16  }
0x8e: {  	[smem:$0x3FC4] =	sst s2  }
0x8f: {  	_ = 	snop  }
0x90: {  	(tm) =	ssettm $0x1  }
0x91: {  	s17 =	sld [smem:$0x3FFB];
	_ =	sdelay $0x3  }
0x92: {  	_ =	strace s17  }
0x93: {  	s2 =	sld [smem:$0x3FFC];
	_ =	sdelay $0x3  }
0x94: {  	_ =	strace s2  }
0x95: {  	s2 =	sld [smem:$0x3FFD];
	_ =	sdelay $0x3  }
0x96: {  	_ =	strace s2  }
0x97: {  	_ =	strace $0x8FFFFFFF  }
0x98: {  	s18 =	sld [smem:$0x3FDB];
	_ =	sdelay $0x1  }
0x99: {  	s19 =	simm.s32 $_scs_section_size  }
0x9a: {  	s4 =	simm.s32 $_size__tile_overlayer_lowered;
	s5 =	simm.s32 $_tile_overlayer_lowered  }
0x9b: {  	s22 =	simm.s32 $0x1BFF;
	s21 =	sshll.u32 s5, $0x1;
	s2 =	sadd.s32 s19, s18  }
0x9c: {  	s6 =	simm.s32 $0x0;
	s20 =	sshll.u32 s4, $0x1;
	s4 =	sadd.s32 s21, s2  }
0x9d: {  	[timem:s6], [sflag:s22] =	dma.local [hbm:s4], s20  }
0x9e: {  	_ =	swait.ge [sflag:s22], s20  }
0x9f: {  	s3 =	ssub.s32 $0x0, s20;
	[sflag:s22] =	ssyncset.done $0x0  }
0xa0: {  	[sflag:s22] =	ssyncadd.s32 s3;
	_ =	sdelay $0x1  }
0xa1: {  	s23 =	simm.s32 $0x1B8B  }
0xa2: {  	_ =	swait.ge [sflag:s23], $0x1  }
0xa3: {  	[sflag:s23] =	ssyncset.done $0x0  }
0xa4: {  	s25 =	simm.s32 $0x1B8E;
	s24 =	sld [smem:$0x3FFE];
	[sflag:s23] =	ssyncadd.s32 $0xFFFFFFFF  }
0xa5: {  	s26 =	simm.s32 $execute0_lowered;
	[smem:$0x3FD2] =	sst s25  }
0xa6: {  	s4 =	sshll.u32 s26, $0x1;
	_ =	strace $0x80000049;
	[dreg:$0x1] =	wrdreg $0xFFFFFFFF  }
0xa7: {  	s28 =	simm.s32 $_size_execute0_lowered;
	s2 =	sadd.s32 s2, s4;
	[dreg:$0x0] =	wrdreg $0x0  }
0xa8: {  	s4 =	sshll.u32 s28, $0x1;
	[dreg:$0x2] =	wrdreg s2  }
0xa9: {  	[dreg:$0x3] =	wrdreg s4  }
0xaa: {  	[dreg:$0x4] =	wrdreg $0xC0  }
0xab: {  	_ =	task [dreg:s6], $0x5FFFF  }
0xac: {  	[dreg:$0x1] =	wrdreg $0xFFFFFFFF  }
0xad: {  	[dreg:$0x0] =	wrdreg $0x60  }
0xae: {  	[dreg:$0x2] =	wrdreg s24  }
0xaf: {  	[dreg:$0x3] =	wrdreg $0x9  }
0xb0: {  	_ =	task.clear_ibuf [dreg:s6], $0x4FFFF;
	_ =	strace $0x90000049  }
0xb1: {  	s29 =	simm.s32 $0x9;
	_ =	strace $0x8000004B  }
0xb2: {  	_ =	swait.ge [sflag:s29], $0x1  }
0xb3: {  	[sflag:s29] =	ssyncadd.s32 $0xFFFFFFFF  }
0xb4: {  	_ =	strace $0x9000004B  }
0xb5: {  	_ =	sfence  }
0xb6: {  	s30 =	sld [smem:$0x0];
	_ =	sdelay $0x2  }
0xb7: {  	s31 =	sshll.u32 s1, $0xD;
	s1 =	sshrl.u32 s1, $0x2  }
0xb8: {  	s3 =	sand.u32 $0x4000, s31;
	s1 =	sadd.s32 s1, s30  }
0xb9: {  	s0 =	sor.u32 s3, s0;
	s1 =	sshll.u32 s1, $0x11  }
0xba: {  	s0 =	sor.u32 s1, s0  }
0xbb: {  	s0 =	sadd.s32 $0x8F2B, s0  }
0xbc: {  	[sflag:s0] =	ssyncadd.remote.s32 $0x1  }
0xbd: {  	_ =	sfence.sel $0xFFFF  }
0xbe: {  	[dreg:$0x0] =	wrdreg $0xFFFFFFFF;
	(pc) =	sbr.abs _section_cstart, $3  }
0xbf: {  	[dreg:$0x1] =	wrdreg $0xFFFFFFFF  }
0xc0: {  	_ =	task.clear_ibuf [dreg:s6], $0x2FFFF;
	_ =	strace $0x9FFFFFFF  }
0xc1: {  	(tm) =	ssettm $0x7FFFFFFF  }
tec
execute0_lowered:
.L_overlay_start_1:
0x0: {  	(tag) =	ssettag $0x1  }
0x1: {  	s2 =	rddreg [dreg:$0x0]  }
0x2: {  	s0 =	rddreg [dreg:$0x1];
	s4 =	srdreg.scid  }
0x3: {  	s3 =	simm.s32 $0x0;
	s1 =	stileid.u32;
	s10 =	simm.s32 $0x0  }
0x4: {  	s4 =	sand.u32 $0x1, s4;
	[smem:$0x7FF] =	sst s3;
	s5 =	sshll.u32 s1, $0xC  }
0x5: {  	s7 =	sshll.u32 s1, $0xE;
	s6 =	sshll.u32 s4, $0xB;
	_ =	strace $0x8000004A  }
0x6: {  	s29 =	ssub.s32 $0x2, s4;
	s7 =	sadd.s32 s7, s2;
	s30 =	sshll.u32 s4, $0xD  }
0x7: {  	s5 =	sor.u32 s6, s5;
	s8 =	sshrl.u32 s29, $0x1;
	s31 =	sadd.s32 s30, s7  }
0x8: {  	s7 =	simm.s32 $0x2;
	s5 =	sshrl.u32 s5, $0x3;
	s6 =	ssub.s32 s29, s8  }
0x9: {  	s8 =	simm.s32 $0x80;
	s9 =	sadd.s32 s5, s2;
	s4 =	smax.u32 s6, $0x1  }
0xa: {  	s5 =	sadd.s32 $0xA000, s31;
	s6 =	sadd.s32 $0x8000, s9;
	s9 =	simm.s32 $0x1  }
.LBB2_1:
0xb: {  	s11 =	sadd.s32 $0x0, s6  }
0xc: {  	[tilespmem:s3], [sflag:$0x2] =	stream.linear.gather [hbm4b:s11+s3], $0x80, $0x38;
	[tilespmem:$0x1080] =	vst v63  }
0xd: {  	_ =	swait.ge [sflag:s7], $0x80  }
0xe: {  	[sflag:s7] =	ssyncset.done $0x0  }
0xf: {  	[sflag:s7] =	ssyncadd.s32 $0xFFFFFF80  }
0x10: {  	[tilespmem:s8], [sflag:$0x1] =	stream.indirect.gather [hbm4b:s2+s8], $0x20, s3, s8, $0xb8;
	[tilespmem:$0x1080] =	vst v63  }
0x11: {  	_ =	swait.ge [sflag:s9], $0x1000  }
0x12: {  	[sflag:s9] =	ssyncset.done $0x0  }
0x13: {  	[sflag:s9] =	ssyncadd.s32 $0xFFFFF000  }
0x14: {  	[hbm4b:s5+s3] =	stream.linear.scatter [tilespmem:s8], [sflag:$0x2], $0x1000, $0x38;
	[tilespmem:$0x1080] =	vst v63  }
0x15: {  	s12 =	simm.s32 $0x10;
	_ =	swait.ge [sflag:s7], $0x1000  }
0x16: {  	s13 =	simm.s32 $0x20;
	s11 =	sadd.s32 $0x200, s5;
	[sflag:s7] =	ssyncset.done $0x0  }
.LBB2_2:
0x17: {  	s14 =	sadd.s32 s12, s6  }
0x18: {  	[sflag:s7] =	ssyncadd.s32 $0xFFFFF000;
	s12 =	smov.u32 s13;
	s15 =	sadd.s32 $0x10, s13  }
0x19: {  	[tilespmem:s3], [sflag:$0x2] =	stream.linear.gather [hbm4b:s14+s3], $0x80, $0x38;
	[tilespmem:$0x1080] =	vst v63  }
0x1a: {  	p0 =	sne.s32 s13, $0xF0;
	_ =	swait.ge [sflag:s7], $0x80  }
0x1b: {  	[sflag:s7] =	ssyncset.done $0x0  }
0x1c: {  	[sflag:s7] =	ssyncadd.s32 $0xFFFFFF80  }
0x1d: {  	[tilespmem:s8], [sflag:$0x1] =	stream.indirect.gather [hbm4b:s2+s8], $0x20, s3, s8, $0xb8;
	[tilespmem:$0x1080] =	vst v63  }
0x1e: {  	_ =	swait.ge [sflag:s9], $0x1000  }
.Ltmp0:
0x1f: {  	[sflag:s9] =	ssyncset.done $0x0;
	(pc) =	sbr.rel @p0 .LBB2_2-.Ltmp0, $4  }
0x20: {  	[sflag:s9] =	ssyncadd.s32 $0xFFFFF000  }
0x21: {  	[hbm4b:s11+s3] =	stream.linear.scatter [tilespmem:s8], [sflag:$0x2], $0x1000, $0x38;
	[tilespmem:$0x1080] =	vst v63  }
0x22: {  	_ =	swait.ge [sflag:s7], $0x1000  }
0x23: {  	s13 =	smov.u32 s15;
	s11 =	sadd.s32 $0x200, s11;
	[sflag:s7] =	ssyncset.done $0x0  }
0x24: {  	s12 =	sadd.s32 s12, s6;
	[sflag:s7] =	ssyncadd.s32 $0xFFFFF000  }
0x25: {  	[tilespmem:s3], [sflag:$0x2] =	stream.linear.gather [hbm4b:s12+s3], $0x80, $0x38;
	[tilespmem:$0x1080] =	vst v63  }
0x26: {  	_ =	swait.ge [sflag:s7], $0x80  }
0x27: {  	[sflag:s7] =	ssyncset.done $0x0  }
0x28: {  	[sflag:s7] =	ssyncadd.s32 $0xFFFFFF80  }
0x29: {  	[tilespmem:s8], [sflag:$0x1] =	stream.indirect.gather [hbm4b:s2+s8], $0x20, s3, s8, $0xb8;
	[tilespmem:$0x1080] =	vst v63  }
0x2a: {  	s10 =	sadd.s32 $0x1, s10;
	_ =	swait.ge [sflag:s9], $0x1000  }
0x2b: {  	p0 =	sne.s32 s10, s4;
	[sflag:s9] =	ssyncset.done $0x0  }
.Ltmp1:
0x2c: {  	[sflag:s9] =	ssyncadd.s32 $0xFFFFF000;
	(pc) =	sbr.rel @p0 .LBB2_1-.Ltmp1, $4  }
0x2d: {  	[hbm4b:s11+s3] =	stream.linear.scatter [tilespmem:s8], [sflag:$0x2], $0x1000, $0x38;
	[tilespmem:$0x1080] =	vst v63  }
0x2e: {  	_ =	swait.ge [sflag:s7], $0x1000  }
0x2f: {  	[sflag:s7] =	ssyncset.done $0x0  }
0x30: {  	[sflag:s7] =	ssyncadd.s32 $0xFFFFF000  }
0x31: {  	_ =	sfence.sel $0x180000  }
0x32: {  	[bflag:$0x0] =	sbarrier.arrive $0xFFFF  }
0x33: {  	p0 =	sne.s32 s1, $0x0;
	_ =	strace $0x9000004A  }
0x34: {  	s0 =	sadd.s32 @!p0 $0x100000, s0;
	[bflag:$0x2] =	sbarrier.arrive $0xFFFF  }
0x35: {  	[sflag:s0] =	ssyncadd.tile.s32 @!p0 $0x1;
	_ =	shalt  }
.Lfunc_end2:
_tile_overlayer_lowered:
.L_overlay_start_2:
0x36: {  	(tag) =	ssettag $0x2  }
0x37: {  	s0 =	rddreg [dreg:$0x0];
	s2 =	stileid.u32  }
0x38: {  	s1 =	rddreg [dreg:$0x1];
	p0 =	sne.s32 s2, $0x0  }
0x39: {  	s3 =	rddreg [dreg:$0x2];
	[bflag:$0x3] =	sbarrier.arrive $0xFFFF;
	s2 =	simm.s32 @!p0 $0x1C02  }
0x3a: {  	[timem:s3], [sflag:s2] =	dma.local @!p0 [hbm:s0], s1  }
0x3b: {  	s0 =	simm.s32 @!p0 $0x2  }
0x3c: {  	_ =	swait.ge @!p0 [sflag:s0], s1  }
0x3d: {  	s1 =	ssub.s32 @!p0 $0x0, s1;
	[sflag:s0] =	ssyncset.done @!p0 $0x0  }
0x3e: {  	[sflag:s0] =	ssyncadd.s32 @!p0 s1  }
0x3f: {  	[bflag:$0x3] =	sbarrier.arrive $0xFFFF  }
0x40: {  	_ =	shalt  }

</sc_bundles>
